<compile_context>
chip_gen: v7x
topology: tpu7x:2x2x1
jax: 0.10.2.dev20260603
libtpu: 0.0.44.dev20260713+nightly
codegen_flags: <defaults>
</compile_context>

<pallas_src>
import functools

import jax
import jax.numpy as jnp
from jax import lax
from jax.experimental import pallas as pl
from jax.experimental.pallas import tpu as pltpu
from jax.experimental.pallas import tpu_sc as plsc

_LANES = 16
_IDX_COLS = 128


@functools.lru_cache(maxsize=None)
def _make_embed(B, L, V, D, interpret=False):
    N = B * L
    NC, NS = 2, 16
    NW = NC * NS
    assert N % (NW * _IDX_COLS) == 0
    rows_per_w = N // NW
    chunk = _IDX_COLS
    n_chunk = rows_per_w // chunk
    idxr_per_w = rows_per_w // _IDX_COLS
    assert D % _LANES == 0
    KD = D // _LANES
    NBUF = 2

    mesh = plsc.VectorSubcoreMesh(
        core_axis_name="c", subcore_axis_name="s", num_cores=NC, num_subcores=NS)

    def body(ids_hbm, tok_hbm, pos_hbm, g_hbm, bt_hbm, out_hbm,
             idx_v, pos_v, g_v, bt_v, buf, sem_g, sem_o):
        cid = lax.axis_index("c")
        sid = lax.axis_index("s")
        wid = sid * NC + cid
        base_row = wid * rows_per_w

        pltpu.sync_copy(ids_hbm.at[wid], idx_v)
        pltpu.sync_copy(pos_hbm.at[pl.ds(0, L)], pos_v)
        pltpu.sync_copy(g_hbm, g_v)
        pltpu.sync_copy(bt_hbm, bt_v)

        gvs = [g_v[pl.ds(_LANES * k, _LANES)] for k in range(KD)]
        bvs = [bt_v[pl.ds(_LANES * k, _LANES)] for k in range(KD)]

        def gather_desc(c, slot):
            return pltpu.make_async_copy(
                tok_hbm.at[idx_v.at[c]], buf.at[slot], sem_g)

        def out_desc(c, slot):
            off = pl.multiple_of(base_row + c * chunk, chunk)
            return pltpu.make_async_copy(
                buf.at[slot], out_hbm.at[pl.ds(off, chunk)], sem_o)

        gather_desc(0, 0).start()

        @pl.loop(0, n_chunk)
        def _chunk(c):
            cur = lax.rem(c, NBUF)
            nxt = 1 - cur
            gather_desc(c, cur).wait()

            @pl.when(c + 1 < n_chunk)
            def _prefetch():
                @pl.when(c >= 1)
                def _free_buf():
                    out_desc(c - 1, nxt).wait()

                gather_desc(c + 1, nxt).start()

            lbase = lax.rem(c * chunk, L)

            @plsc.parallel_loop(0, chunk, unroll=16)
            def _row(r):
                lpos = lax.rem(lbase + r, L)
                t = [buf[cur, r, pl.ds(_LANES * k, _LANES)]
                     + pos_v[lpos, pl.ds(_LANES * k, _LANES)]
                     for k in range(KD)]
                sv = ((t[0] + t[1]) + (t[2] + t[3])) + ((t[4] + t[5]) + (t[6] + t[7]))
                qv = (((t[0] * t[0] + t[1] * t[1]) + (t[2] * t[2] + t[3] * t[3]))
                      + ((t[4] * t[4] + t[5] * t[5]) + (t[6] * t[6] + t[7] * t[7])))
                lanes = lax.iota(jnp.int32, _LANES)
                for sh in (8, 4, 2, 1):
                    perm = lanes ^ sh
                    sv = sv + sv.at[perm].get(mode="promise_in_bounds", unique_indices=True)
                    qv = qv + qv.at[perm].get(mode="promise_in_bounds", unique_indices=True)
                mean = sv * (1.0 / D)
                var = qv * (1.0 / D) - mean * mean + 1e-5
                i = lax.bitcast_convert_type(var, jnp.int32)
                i = jnp.int32(0x5F3759DF) - lax.shift_right_arithmetic(i, 1)
                y = lax.bitcast_convert_type(i, jnp.float32)
                y = y * (1.5 - 0.5 * var * y * y)
                y = y * (1.5 - 0.5 * var * y * y)
                y = y * (1.5 - 0.5 * var * y * y)
                a = y
                b = -mean * y
                for k in range(KD):
                    buf[cur, r, pl.ds(_LANES * k, _LANES)] = (t[k] * a + b) * gvs[k] + bvs[k]

            out_desc(c, cur).start()

        out_desc(n_chunk - 1, (n_chunk - 1) % NBUF).wait()

    return pl.kernel(
        body,
        out_type=jax.ShapeDtypeStruct((N, D), jnp.float32),
        mesh=mesh,
        scratch_types=[
            pltpu.VMEM((idxr_per_w, _IDX_COLS), jnp.int32),
            pltpu.VMEM((L, D), jnp.float32),
            pltpu.VMEM((D,), jnp.float32),
            pltpu.VMEM((D,), jnp.float32),
            pltpu.VMEM((NBUF, chunk, D), jnp.float32),
            pltpu.SemaphoreType.DMA,
            pltpu.SemaphoreType.DMA,
        ],
        interpret=interpret,
    )


def kernel(input_ids, token_table, pos_table, ln_gamma, ln_beta):
    B, L = input_ids.shape
    V, D = token_table.shape
    NW = 32
    ids3d = input_ids.reshape(NW, B * L // (NW * _IDX_COLS), _IDX_COLS).astype(jnp.int32)
    fn = _make_embed(B, L, V, D)
    out = fn(ids3d, token_table, pos_table, ln_gamma, ln_beta)
    return out.reshape(B, L, D)

# --- scband reference (transcript-rebuilt; emitter-appended) ---
"""Pipeline reference for scband-hakornembedding-25615184953674 (READ-ONLY COPY).

The authoritative reference and input builder live on the scoring server;
editing this copy changes nothing except your own understanding.
"""

import jax, jax.numpy as jnp
import numpy as np

VOCAB = 100000
D_MODEL = 128
MAX_POS = 512
B, L = 1024, 200


def setup_inputs(seed: int = 0) -> dict:
    key = jax.random.key(seed)
    k1, k2, k3 = jax.random.split(key, 3)
    input_ids = jax.random.randint(k1, (B, L), 0, VOCAB, dtype=jnp.int64 if jax.config.jax_enable_x64 else jnp.int32)
    token_table = jax.random.normal(k2, (VOCAB, D_MODEL), dtype=jnp.float32) * 0.02
    # padding_idx=0 -> row 0 is zeros (matches nn.Embedding padding_idx init)
    token_table = token_table.at[0].set(0.0)
    pos_table = jax.random.normal(k3, (MAX_POS, D_MODEL), dtype=jnp.float32) * 0.02
    ln_gamma = jnp.ones((D_MODEL,), dtype=jnp.float32)
    ln_beta = jnp.zeros((D_MODEL,), dtype=jnp.float32)
    return {
        "input_ids": input_ids,
        "token_table": token_table,
        "pos_table": pos_table,
        "ln_gamma": ln_gamma,
        "ln_beta": ln_beta,
    }


def reference(input_ids, token_table, pos_table, ln_gamma, ln_beta):
    # token embedding gather
    token_embeds = jnp.take(token_table, input_ids, axis=0)  # [B, L, D]
    # position embedding: position_ids = arange(L) broadcast over batch
    Lcur = input_ids.shape[1]
    position_embeds = jnp.take(pos_table, jnp.arange(Lcur), axis=0)[None, :, :]  # [1, L, D]
    embeddings = token_embeds + position_embeds
    # LayerNorm over last dim, eps=1e-5 (PyTorch default)
    mean = jnp.mean(embeddings, axis=-1, keepdims=True)
    var = jnp.mean(jnp.square(embeddings - mean), axis=-1, keepdims=True)
    embeddings = (embeddings - mean) / jnp.sqrt(var + 1e-5)
    embeddings = embeddings * ln_gamma + ln_beta
    # dropout p=0.0 (eval) -> identity; use_hyperbolic_embedding=False
    return embeddings

if __name__ == "__main__":
    import jax
    _d = setup_inputs()
    print(jax.jit(kernel)(*tuple(_d.values())))

</pallas_src>

<mosaic_0001>
#map = affine_map<(d0, d1) -> (0, 0, 0)>
#map1 = affine_map<(d0, d1) -> (0, 0)>
#map2 = affine_map<(d0, d1) -> (0)>
module attributes {stable_mosaic.version = 14 : i64} {
  func.func @body(%arg0: i32, %arg1: i32, %arg2: memref<32x50x128xi32, #tpu.memory_space<hbm>>, %arg3: memref<100000x128xf32, #tpu.memory_space<hbm>>, %arg4: memref<512x128xf32, #tpu.memory_space<hbm>>, %arg5: memref<128xf32, #tpu.memory_space<hbm>>, %arg6: memref<128xf32, #tpu.memory_space<hbm>>, %arg7: memref<204800x128xf32, #tpu.memory_space<hbm>>, %arg8: memref<50x128xi32, #tpu.memory_space<vmem>>, %arg9: memref<200x128xf32, #tpu.memory_space<vmem>>, %arg10: memref<128xf32, #tpu.memory_space<vmem>>, %arg11: memref<128xf32, #tpu.memory_space<vmem>>, %arg12: memref<2x128x128xf32, #tpu.memory_space<vmem>>, %arg13: memref<!tpu.dma_semaphore, #tpu.memory_space<semaphore_mem>>, %arg14: memref<!tpu.dma_semaphore, #tpu.memory_space<semaphore_mem>>) attributes {dimension_semantics = [#tpu.dimension_semantics<core_parallel>, #tpu.dimension_semantics<subcore_parallel>], iteration_bounds = array<i64: 2, 16>, scalar_prefetch = 0 : i64, scratch_operands = 7 : i64, tpu.core_type = #tpu.core_type<sc_vector_subcore>, window_params = [{transform_indices = #map}, {transform_indices = #map1}, {transform_indices = #map1}, {transform_indices = #map2}, {transform_indices = #map2}, {transform_indices = #map1}]} {
    %mul3A = arith.constant 2 : i32
    %mul3A_0 = arith.muli %arg1, %mul3A : i32
    %add3A = arith.addi %mul3A_0, %arg0 : i32
    %mul3A_1 = arith.constant 6400 : i32
    %mul3A_2 = arith.muli %add3A, %mul3A_1 : i32
    "tpu.region"() ({
      %run_scoped3A = tpu.sem_alloc : memref<!tpu.dma_semaphore, #tpu.memory_space<semaphore_mem>>
      %dma_start3A_79 = arith.constant 0 : i32
      %dma_start3A_80 = arith.constant 0 : i32
      %dma_start3A_81 = tpu.memref_slice %arg2[%add3A, %dma_start3A_79, %dma_start3A_80] : memref<32x50x128xi32, #tpu.memory_space<hbm>> -> memref<1x50x128xi32, #tpu.memory_space<hbm>>
      %dma_start3A_82 = tpu.memref_squeeze %dma_start3A_81 : memref<1x50x128xi32, #tpu.memory_space<hbm>> -> memref<50x128xi32, #tpu.memory_space<hbm>>
      %dma_start3A_83 = arith.constant 0 : i32
      %dma_start3A_84 = arith.constant 0 : i32
      %dma_start3A_85 = tpu.memref_slice %arg2[%add3A, %dma_start3A_83, %dma_start3A_84] : memref<32x50x128xi32, #tpu.memory_space<hbm>> -> memref<1x50x128xi32, #tpu.memory_space<hbm>>
      %dma_start3A_86 = tpu.memref_squeeze %dma_start3A_85 : memref<1x50x128xi32, #tpu.memory_space<hbm>> -> memref<50x128xi32, #tpu.memory_space<hbm>>
      tpu.enqueue_dma source(%dma_start3A_86 : memref<50x128xi32, #tpu.memory_space<hbm>>) target(%arg8 : memref<50x128xi32, #tpu.memory_space<vmem>>) target_semaphore(%run_scoped3A : memref<!tpu.dma_semaphore, #tpu.memory_space<semaphore_mem>>)
      %dma_wait3A_87 = arith.constant 0 : i32
      %dma_wait3A_88 = arith.constant 0 : i32
      %dma_wait3A_89 = tpu.memref_slice %arg2[%add3A, %dma_wait3A_87, %dma_wait3A_88] : memref<32x50x128xi32, #tpu.memory_space<hbm>> -> memref<1x50x128xi32, #tpu.memory_space<hbm>>
      %dma_wait3A_90 = tpu.memref_squeeze %dma_wait3A_89 : memref<1x50x128xi32, #tpu.memory_space<hbm>> -> memref<50x128xi32, #tpu.memory_space<hbm>>
      %dma_wait3A_91 = arith.constant 0 : i32
      %dma_wait3A_92 = arith.constant 0 : i32
      %dma_wait3A_93 = tpu.memref_slice %arg2[%add3A, %dma_wait3A_91, %dma_wait3A_92] : memref<32x50x128xi32, #tpu.memory_space<hbm>> -> memref<1x50x128xi32, #tpu.memory_space<hbm>>
      %dma_wait3A_94 = tpu.memref_squeeze %dma_wait3A_93 : memref<1x50x128xi32, #tpu.memory_space<hbm>> -> memref<50x128xi32, #tpu.memory_space<hbm>>
      tpu.wait_dma2 semaphore(%run_scoped3A : memref<!tpu.dma_semaphore, #tpu.memory_space<semaphore_mem>>) src(%dma_wait3A_94 : memref<50x128xi32, #tpu.memory_space<hbm>>) dst(%arg8 : memref<50x128xi32, #tpu.memory_space<vmem>>)
      tpu.yield
    }) : () -> ()
    "tpu.region"() ({
      %run_scoped3A = tpu.sem_alloc : memref<!tpu.dma_semaphore, #tpu.memory_space<semaphore_mem>>
      %dma_start3A_79 = arith.constant 0 : i32
      %dma_start3A_80 = arith.constant 0 : i32
      %dma_start3A_81 = tpu.memref_slice %arg4[%dma_start3A_79, %dma_start3A_80] : memref<512x128xf32, #tpu.memory_space<hbm>> -> memref<200x128xf32, #tpu.memory_space<hbm>>
      %dma_start3A_82 = arith.constant 0 : i32
      %dma_start3A_83 = arith.constant 0 : i32
      %dma_start3A_84 = tpu.memref_slice %arg4[%dma_start3A_82, %dma_start3A_83] : memref<512x128xf32, #tpu.memory_space<hbm>> -> memref<200x128xf32, #tpu.memory_space<hbm>>
      tpu.enqueue_dma source(%dma_start3A_84 : memref<200x128xf32, #tpu.memory_space<hbm>>) target(%arg9 : memref<200x128xf32, #tpu.memory_space<vmem>>) target_semaphore(%run_scoped3A : memref<!tpu.dma_semaphore, #tpu.memory_space<semaphore_mem>>)
      %dma_wait3A_85 = arith.constant 0 : i32
      %dma_wait3A_86 = arith.constant 0 : i32
      %dma_wait3A_87 = tpu.memref_slice %arg4[%dma_wait3A_85, %dma_wait3A_86] : memref<512x128xf32, #tpu.memory_space<hbm>> -> memref<200x128xf32, #tpu.memory_space<hbm>>
      %dma_wait3A_88 = arith.constant 0 : i32
      %dma_wait3A_89 = arith.constant 0 : i32
      %dma_wait3A_90 = tpu.memref_slice %arg4[%dma_wait3A_88, %dma_wait3A_89] : memref<512x128xf32, #tpu.memory_space<hbm>> -> memref<200x128xf32, #tpu.memory_space<hbm>>
      tpu.wait_dma2 semaphore(%run_scoped3A : memref<!tpu.dma_semaphore, #tpu.memory_space<semaphore_mem>>) src(%dma_wait3A_90 : memref<200x128xf32, #tpu.memory_space<hbm>>) dst(%arg9 : memref<200x128xf32, #tpu.memory_space<vmem>>)
      tpu.yield
    }) : () -> ()
    "tpu.region"() ({
      %run_scoped3A = tpu.sem_alloc : memref<!tpu.dma_semaphore, #tpu.memory_space<semaphore_mem>>
      tpu.enqueue_dma source(%arg5 : memref<128xf32, #tpu.memory_space<hbm>>) target(%arg10 : memref<128xf32, #tpu.memory_space<vmem>>) target_semaphore(%run_scoped3A : memref<!tpu.dma_semaphore, #tpu.memory_space<semaphore_mem>>)
      tpu.wait_dma2 semaphore(%run_scoped3A : memref<!tpu.dma_semaphore, #tpu.memory_space<semaphore_mem>>) src(%arg5 : memref<128xf32, #tpu.memory_space<hbm>>) dst(%arg10 : memref<128xf32, #tpu.memory_space<vmem>>)
      tpu.yield
    }) : () -> ()
    "tpu.region"() ({
      %run_scoped3A = tpu.sem_alloc : memref<!tpu.dma_semaphore, #tpu.memory_space<semaphore_mem>>
      tpu.enqueue_dma source(%arg6 : memref<128xf32, #tpu.memory_space<hbm>>) target(%arg11 : memref<128xf32, #tpu.memory_space<vmem>>) target_semaphore(%run_scoped3A : memref<!tpu.dma_semaphore, #tpu.memory_space<semaphore_mem>>)
      tpu.wait_dma2 semaphore(%run_scoped3A : memref<!tpu.dma_semaphore, #tpu.memory_space<semaphore_mem>>) src(%arg6 : memref<128xf32, #tpu.memory_space<hbm>>) dst(%arg11 : memref<128xf32, #tpu.memory_space<vmem>>)
      tpu.yield
    }) : () -> ()
    %get3A = arith.constant 0 : index
    %get3A_3 = tpu.vector_load %arg10[%get3A] {strides = array<i32>} : memref<128xf32, #tpu.memory_space<vmem>>, vector<16xf32>,
    %get3A_4 = vector.shape_cast %get3A_3 : vector<16xf32> to vector<16xf32>
    %get3A_5 = arith.constant 16 : index
    %get3A_6 = tpu.vector_load %arg10[%get3A_5] {strides = array<i32>} : memref<128xf32, #tpu.memory_space<vmem>>, vector<16xf32>,
    %get3A_7 = vector.shape_cast %get3A_6 : vector<16xf32> to vector<16xf32>
    %get3A_8 = arith.constant 32 : index
    %get3A_9 = tpu.vector_load %arg10[%get3A_8] {strides = array<i32>} : memref<128xf32, #tpu.memory_space<vmem>>, vector<16xf32>,
    %get3A_10 = vector.shape_cast %get3A_9 : vector<16xf32> to vector<16xf32>
    %get3A_11 = arith.constant 48 : index
    %get3A_12 = tpu.vector_load %arg10[%get3A_11] {strides = array<i32>} : memref<128xf32, #tpu.memory_space<vmem>>, vector<16xf32>,
    %get3A_13 = vector.shape_cast %get3A_12 : vector<16xf32> to vector<16xf32>
    %get3A_14 = arith.constant 64 : index
    %get3A_15 = tpu.vector_load %arg10[%get3A_14] {strides = array<i32>} : memref<128xf32, #tpu.memory_space<vmem>>, vector<16xf32>,
    %get3A_16 = vector.shape_cast %get3A_15 : vector<16xf32> to vector<16xf32>
    %get3A_17 = arith.constant 80 : index
    %get3A_18 = tpu.vector_load %arg10[%get3A_17] {strides = array<i32>} : memref<128xf32, #tpu.memory_space<vmem>>, vector<16xf32>,
    %get3A_19 = vector.shape_cast %get3A_18 : vector<16xf32> to vector<16xf32>
    %get3A_20 = arith.constant 96 : index
    %get3A_21 = tpu.vector_load %arg10[%get3A_20] {strides = array<i32>} : memref<128xf32, #tpu.memory_space<vmem>>, vector<16xf32>,
    %get3A_22 = vector.shape_cast %get3A_21 : vector<16xf32> to vector<16xf32>
    %get3A_23 = arith.constant 112 : index
    %get3A_24 = tpu.vector_load %arg10[%get3A_23] {strides = array<i32>} : memref<128xf32, #tpu.memory_space<vmem>>, vector<16xf32>,
    %get3A_25 = vector.shape_cast %get3A_24 : vector<16xf32> to vector<16xf32>
    %get3A_26 = arith.constant 0 : index
    %get3A_27 = tpu.vector_load %arg11[%get3A_26] {strides = array<i32>} : memref<128xf32, #tpu.memory_space<vmem>>, vector<16xf32>,
    %get3A_28 = vector.shape_cast %get3A_27 : vector<16xf32> to vector<16xf32>
    %get3A_29 = arith.constant 16 : index
    %get3A_30 = tpu.vector_load %arg11[%get3A_29] {strides = array<i32>} : memref<128xf32, #tpu.memory_space<vmem>>, vector<16xf32>,
    %get3A_31 = vector.shape_cast %get3A_30 : vector<16xf32> to vector<16xf32>
    %get3A_32 = arith.constant 32 : index
    %get3A_33 = tpu.vector_load %arg11[%get3A_32] {strides = array<i32>} : memref<128xf32, #tpu.memory_space<vmem>>, vector<16xf32>,
    %get3A_34 = vector.shape_cast %get3A_33 : vector<16xf32> to vector<16xf32>
    %get3A_35 = arith.constant 48 : index
    %get3A_36 = tpu.vector_load %arg11[%get3A_35] {strides = array<i32>} : memref<128xf32, #tpu.memory_space<vmem>>, vector<16xf32>,
    %get3A_37 = vector.shape_cast %get3A_36 : vector<16xf32> to vector<16xf32>
    %get3A_38 = arith.constant 64 : index
    %get3A_39 = tpu.vector_load %arg11[%get3A_38] {strides = array<i32>} : memref<128xf32, #tpu.memory_space<vmem>>, vector<16xf32>,
    %get3A_40 = vector.shape_cast %get3A_39 : vector<16xf32> to vector<16xf32>
    %get3A_41 = arith.constant 80 : index
    %get3A_42 = tpu.vector_load %arg11[%get3A_41] {strides = array<i32>} : memref<128xf32, #tpu.memory_space<vmem>>, vector<16xf32>,
    %get3A_43 = vector.shape_cast %get3A_42 : vector<16xf32> to vector<16xf32>
    %get3A_44 = arith.constant 96 : index
    %get3A_45 = tpu.vector_load %arg11[%get3A_44] {strides = array<i32>} : memref<128xf32, #tpu.memory_space<vmem>>, vector<16xf32>,
    %get3A_46 = vector.shape_cast %get3A_45 : vector<16xf32> to vector<16xf32>
    %get3A_47 = arith.constant 112 : index
    %get3A_48 = tpu.vector_load %arg11[%get3A_47] {strides = array<i32>} : memref<128xf32, #tpu.memory_space<vmem>>, vector<16xf32>,
    %get3A_49 = vector.shape_cast %get3A_48 : vector<16xf32> to vector<16xf32>
    %dma_start3A = arith.constant 0 : i32
    %dma_start3A_50 = arith.constant 0 : i32
    %dma_start3A_51 = arith.constant 0 : i32
    %dma_start3A_52 = arith.constant 0 : i32
    %dma_start3A_53 = tpu.memref_slice %arg12[%dma_start3A_50, %dma_start3A_51, %dma_start3A_52] : memref<2x128x128xf32, #tpu.memory_space<vmem>> -> memref<1x128x128xf32, #tpu.memory_space<vmem>>
    %dma_start3A_54 = tpu.memref_squeeze %dma_start3A_53 : memref<1x128x128xf32, #tpu.memory_space<vmem>> -> memref<128x128xf32, #tpu.memory_space<vmem>>
    %dma_start3A_55 = arith.constant 0 : i32
    %dma_start3A_56 = tpu.memref_slice %arg8[%dma_start3A, %dma_start3A_55] : memref<50x128xi32, #tpu.memory_space<vmem>> -> memref<1x128xi32, #tpu.memory_space<vmem>>
    %dma_start3A_57 = tpu.memref_squeeze %dma_start3A_56 : memref<1x128xi32, #tpu.memory_space<vmem>> -> memref<128xi32, #tpu.memory_space<vmem>>
    %dma_start3A_58 = arith.constant 0 : i32
    %dma_start3A_59 = arith.constant 0 : i32
    %dma_start3A_60 = tpu.memref_slice %arg3[%dma_start3A_58, %dma_start3A_59] : memref<100000x128xf32, #tpu.memory_space<hbm>> -> memref<100000x128xf32, #tpu.memory_space<hbm>>
    tpu.enqueue_indirect_dma source(%dma_start3A_60 : memref<100000x128xf32, #tpu.memory_space<hbm>>) target(%dma_start3A_54 : memref<128x128xf32, #tpu.memory_space<vmem>>) offsets(%dma_start3A_57 : memref<128xi32, #tpu.memory_space<vmem>>) semaphore(%arg13 : memref<!tpu.dma_semaphore, #tpu.memory_space<semaphore_mem>>)
    %scan3A = arith.constant 0 : i32
    %scan3A_61 = arith.constant 50 : i32
    %scan3A_62 = arith.addi %scan3A, %scan3A_61 : i32
    %scan3A_63 = arith.constant 1 : i32
    scf.for %scan3A_79 = %scan3A to %scan3A_62 step %scan3A_63  : i32 {
      %mul3A_80 = arith.constant 1 : i32
      %mul3A_81 = arith.muli %scan3A_79, %mul3A_80 : i32
      %add3A_82 = arith.constant 0 : i32
      %add3A_83 = arith.addi %add3A_82, %mul3A_81 : i32
      %rem3A = arith.constant 2 : i32
      %rem3A_84 = arith.remsi %add3A_83, %rem3A : i32
      %sub3A = arith.constant 1 : i32
      %sub3A_85 = arith.subi %sub3A, %rem3A_84 : i32
      %dma_wait3A_86 = arith.constant 0 : i32
      %dma_wait3A_87 = arith.constant 0 : i32
      %dma_wait3A_88 = tpu.memref_slice %arg12[%rem3A_84, %dma_wait3A_86, %dma_wait3A_87] : memref<2x128x128xf32, #tpu.memory_space<vmem>> -> memref<1x128x128xf32, #tpu.memory_space<vmem>>
      %dma_wait3A_89 = tpu.memref_squeeze %dma_wait3A_88 : memref<1x128x128xf32, #tpu.memory_space<vmem>> -> memref<128x128xf32, #tpu.memory_space<vmem>>
      %dma_wait3A_90 = arith.constant 0 : i32
      %dma_wait3A_91 = tpu.memref_slice %arg8[%add3A_83, %dma_wait3A_90] : memref<50x128xi32, #tpu.memory_space<vmem>> -> memref<1x128xi32, #tpu.memory_space<vmem>>
      %dma_wait3A_92 = tpu.memref_squeeze %dma_wait3A_91 : memref<1x128xi32, #tpu.memory_space<vmem>> -> memref<128xi32, #tpu.memory_space<vmem>>
      %dma_wait3A_93 = arith.constant 0 : i32
      %dma_wait3A_94 = arith.constant 0 : i32
      %dma_wait3A_95 = tpu.memref_slice %arg3[%dma_wait3A_93, %dma_wait3A_94] : memref<100000x128xf32, #tpu.memory_space<hbm>> -> memref<100000x128xf32, #tpu.memory_space<hbm>>
      tpu.wait_indirect_dma semaphore(%arg13 : memref<!tpu.dma_semaphore, #tpu.memory_space<semaphore_mem>>) src(%dma_wait3A_95 : memref<100000x128xf32, #tpu.memory_space<hbm>>) dst(%dma_wait3A_89 : memref<128x128xf32, #tpu.memory_space<vmem>>)
      %add3A_96 = arith.constant 1 : i32
      %add3A_97 = arith.addi %add3A_83, %add3A_96 : i32
      %lt3A = arith.constant 50 : i32
      %lt3A_98 = arith.cmpi slt, %add3A_97, %lt3A : i32
      %convert_element_type3A = arith.extui %lt3A_98 : i1 to i32
      %cond3A = arith.constant 0 : i32
      %cond3A_99 = arith.cmpi ne, %convert_element_type3A, %cond3A : i32
      scf.if %cond3A_99 {
        %ge3A = arith.constant 1 : i32
        %ge3A_122 = arith.cmpi sge, %add3A_83, %ge3A : i32
        %convert_element_type3A_123 = arith.extui %ge3A_122 : i1 to i32
        %cond3A_124 = arith.constant 0 : i32
        %cond3A_125 = arith.cmpi ne, %convert_element_type3A_123, %cond3A_124 : i32
        scf.if %cond3A_125 {
          %sub3A_138 = arith.constant 1 : i32
          %sub3A_139 = arith.subi %add3A_83, %sub3A_138 : i32
          %mul3A_140 = arith.constant 128 : i32
          %mul3A_141 = arith.muli %sub3A_139, %mul3A_140 : i32
          %add3A_142 = arith.addi %mul3A_2, %mul3A_141 : i32
          %multiple_of3A_143 = tpu.assume_multiple %add3A_142, 128 : i32
          %dma_wait3A_144 = arith.constant 0 : i32
          %dma_wait3A_145 = arith.constant 0 : i32
          %dma_wait3A_146 = tpu.memref_slice %arg12[%sub3A_85, %dma_wait3A_144, %dma_wait3A_145] : memref<2x128x128xf32, #tpu.memory_space<vmem>> -> memref<1x128x128xf32, #tpu.memory_space<vmem>>
          %dma_wait3A_147 = tpu.memref_squeeze %dma_wait3A_146 : memref<1x128x128xf32, #tpu.memory_space<vmem>> -> memref<128x128xf32, #tpu.memory_space<vmem>>
          %dma_wait3A_148 = arith.constant 0 : i32
          %dma_wait3A_149 = tpu.memref_slice %arg7[%multiple_of3A_143, %dma_wait3A_148] : memref<204800x128xf32, #tpu.memory_space<hbm>> -> memref<128x128xf32, #tpu.memory_space<hbm>>
          %dma_wait3A_150 = arith.constant 0 : i32
          %dma_wait3A_151 = tpu.memref_slice %arg7[%multiple_of3A_143, %dma_wait3A_150] : memref<204800x128xf32, #tpu.memory_space<hbm>> -> memref<128x128xf32, #tpu.memory_space<hbm>>
          %dma_wait3A_152 = arith.constant 0 : i32
          %dma_wait3A_153 = arith.constant 0 : i32
          %dma_wait3A_154 = tpu.memref_slice %arg12[%sub3A_85, %dma_wait3A_152, %dma_wait3A_153] : memref<2x128x128xf32, #tpu.memory_space<vmem>> -> memref<1x128x128xf32, #tpu.memory_space<vmem>>
          %dma_wait3A_155 = tpu.memref_squeeze %dma_wait3A_154 : memref<1x128x128xf32, #tpu.memory_space<vmem>> -> memref<128x128xf32, #tpu.memory_space<vmem>>
          tpu.wait_dma2 semaphore(%arg14 : memref<!tpu.dma_semaphore, #tpu.memory_space<semaphore_mem>>) src(%dma_wait3A_155 : memref<128x128xf32, #tpu.memory_space<vmem>>) dst(%dma_wait3A_151 : memref<128x128xf32, #tpu.memory_space<hbm>>)
        } else {
        }
        %add3A_126 = arith.constant 1 : i32
        %add3A_127 = arith.addi %add3A_83, %add3A_126 : i32
        %dma_start3A_128 = arith.constant 0 : i32
        %dma_start3A_129 = arith.constant 0 : i32
        %dma_start3A_130 = tpu.memref_slice %arg12[%sub3A_85, %dma_start3A_128, %dma_start3A_129] : memref<2x128x128xf32, #tpu.memory_space<vmem>> -> memref<1x128x128xf32, #tpu.memory_space<vmem>>
        %dma_start3A_131 = tpu.memref_squeeze %dma_start3A_130 : memref<1x128x128xf32, #tpu.memory_space<vmem>> -> memref<128x128xf32, #tpu.memory_space<vmem>>
        %dma_start3A_132 = arith.constant 0 : i32
        %dma_start3A_133 = tpu.memref_slice %arg8[%add3A_127, %dma_start3A_132] : memref<50x128xi32, #tpu.memory_space<vmem>> -> memref<1x128xi32, #tpu.memory_space<vmem>>
        %dma_start3A_134 = tpu.memref_squeeze %dma_start3A_133 : memref<1x128xi32, #tpu.memory_space<vmem>> -> memref<128xi32, #tpu.memory_space<vmem>>
        %dma_start3A_135 = arith.constant 0 : i32
        %dma_start3A_136 = arith.constant 0 : i32
        %dma_start3A_137 = tpu.memref_slice %arg3[%dma_start3A_135, %dma_start3A_136] : memref<100000x128xf32, #tpu.memory_space<hbm>> -> memref<100000x128xf32, #tpu.memory_space<hbm>>
        tpu.enqueue_indirect_dma source(%dma_start3A_137 : memref<100000x128xf32, #tpu.memory_space<hbm>>) target(%dma_start3A_131 : memref<128x128xf32, #tpu.memory_space<vmem>>) offsets(%dma_start3A_134 : memref<128xi32, #tpu.memory_space<vmem>>) semaphore(%arg13 : memref<!tpu.dma_semaphore, #tpu.memory_space<semaphore_mem>>)
      } else {
      }
      %mul3A_100 = arith.constant 128 : i32
      %mul3A_101 = arith.muli %add3A_83, %mul3A_100 : i32
      %rem3A_102 = arith.constant 200 : i32
      %rem3A_103 = arith.remsi %mul3A_101, %rem3A_102 : i32
      %parallel_loop3A = arith.constant 0 : i32
      %parallel_loop3A_104 = arith.constant 128 : i32
      %parallel_loop3A_105 = arith.constant 1 : i32
      scf.for %parallel_loop3A_122 = %parallel_loop3A to %parallel_loop3A_104 step %parallel_loop3A_105  : i32 {
        %parallel_loop3A_123 = arith.addi %rem3A_103, %parallel_loop3A_122 : i32
        %parallel_loop3A_124 = arith.constant 200 : i32
        %parallel_loop3A_125 = arith.remsi %parallel_loop3A_123, %parallel_loop3A_124 : i32
        %parallel_loop3A_126 = arith.index_cast %rem3A_84 : i32 to index
        %parallel_loop3A_127 = arith.index_cast %parallel_loop3A_122 : i32 to index
        %parallel_loop3A_128 = arith.constant 0 : index
        %parallel_loop3A_129 = tpu.vector_load %arg12[%parallel_loop3A_126, %parallel_loop3A_127, %parallel_loop3A_128] {strides = array<i32>} : memref<2x128x128xf32, #tpu.memory_space<vmem>>, vector<1x1x16xf32>,
        %parallel_loop3A_130 = vector.shape_cast %parallel_loop3A_129 : vector<1x1x16xf32> to vector<16xf32>
        %parallel_loop3A_131 = arith.index_cast %parallel_loop3A_125 : i32 to index
        %parallel_loop3A_132 = arith.constant 0 : index
        %parallel_loop3A_133 = tpu.vector_load %arg9[%parallel_loop3A_131, %parallel_loop3A_132] {strides = array<i32>} : memref<200x128xf32, #tpu.memory_space<vmem>>, vector<1x16xf32>,
        %parallel_loop3A_134 = vector.shape_cast %parallel_loop3A_133 : vector<1x16xf32> to vector<16xf32>
        %parallel_loop3A_135 = arith.addf %parallel_loop3A_130, %parallel_loop3A_134 : vector<16xf32>
        %parallel_loop3A_136 = arith.index_cast %rem3A_84 : i32 to index
        %parallel_loop3A_137 = arith.index_cast %parallel_loop3A_122 : i32 to index
        %parallel_loop3A_138 = arith.constant 16 : index
        %parallel_loop3A_139 = tpu.vector_load %arg12[%parallel_loop3A_136, %parallel_loop3A_137, %parallel_loop3A_138] {strides = array<i32>} : memref<2x128x128xf32, #tpu.memory_space<vmem>>, vector<1x1x16xf32>,
        %parallel_loop3A_140 = vector.shape_cast %parallel_loop3A_139 : vector<1x1x16xf32> to vector<16xf32>
        %parallel_loop3A_141 = arith.index_cast %parallel_loop3A_125 : i32 to index
        %parallel_loop3A_142 = arith.constant 16 : index
        %parallel_loop3A_143 = tpu.vector_load %arg9[%parallel_loop3A_141, %parallel_loop3A_142] {strides = array<i32>} : memref<200x128xf32, #tpu.memory_space<vmem>>, vector<1x16xf32>,
        %parallel_loop3A_144 = vector.shape_cast %parallel_loop3A_143 : vector<1x16xf32> to vector<16xf32>
        %parallel_loop3A_145 = arith.addf %parallel_loop3A_140, %parallel_loop3A_144 : vector<16xf32>
        %parallel_loop3A_146 = arith.index_cast %rem3A_84 : i32 to index
        %parallel_loop3A_147 = arith.index_cast %parallel_loop3A_122 : i32 to index
        %parallel_loop3A_148 = arith.constant 32 : index
        %parallel_loop3A_149 = tpu.vector_load %arg12[%parallel_loop3A_146, %parallel_loop3A_147, %parallel_loop3A_148] {strides = array<i32>} : memref<2x128x128xf32, #tpu.memory_space<vmem>>, vector<1x1x16xf32>,
        %parallel_loop3A_150 = vector.shape_cast %parallel_loop3A_149 : vector<1x1x16xf32> to vector<16xf32>
        %parallel_loop3A_151 = arith.index_cast %parallel_loop3A_125 : i32 to index
        %parallel_loop3A_152 = arith.constant 32 : index
        %parallel_loop3A_153 = tpu.vector_load %arg9[%parallel_loop3A_151, %parallel_loop3A_152] {strides = array<i32>} : memref<200x128xf32, #tpu.memory_space<vmem>>, vector<1x16xf32>,
        %parallel_loop3A_154 = vector.shape_cast %parallel_loop3A_153 : vector<1x16xf32> to vector<16xf32>
        %parallel_loop3A_155 = arith.addf %parallel_loop3A_150, %parallel_loop3A_154 : vector<16xf32>
        %parallel_loop3A_156 = arith.index_cast %rem3A_84 : i32 to index
        %parallel_loop3A_157 = arith.index_cast %parallel_loop3A_122 : i32 to index
        %parallel_loop3A_158 = arith.constant 48 : index
        %parallel_loop3A_159 = tpu.vector_load %arg12[%parallel_loop3A_156, %parallel_loop3A_157, %parallel_loop3A_158] {strides = array<i32>} : memref<2x128x128xf32, #tpu.memory_space<vmem>>, vector<1x1x16xf32>,
        %parallel_loop3A_160 = vector.shape_cast %parallel_loop3A_159 : vector<1x1x16xf32> to vector<16xf32>
        %parallel_loop3A_161 = arith.index_cast %parallel_loop3A_125 : i32 to index
        %parallel_loop3A_162 = arith.constant 48 : index
        %parallel_loop3A_163 = tpu.vector_load %arg9[%parallel_loop3A_161, %parallel_loop3A_162] {strides = array<i32>} : memref<200x128xf32, #tpu.memory_space<vmem>>, vector<1x16xf32>,
        %parallel_loop3A_164 = vector.shape_cast %parallel_loop3A_163 : vector<1x16xf32> to vector<16xf32>
        %parallel_loop3A_165 = arith.addf %parallel_loop3A_160, %parallel_loop3A_164 : vector<16xf32>
        %parallel_loop3A_166 = arith.index_cast %rem3A_84 : i32 to index
        %parallel_loop3A_167 = arith.index_cast %parallel_loop3A_122 : i32 to index
        %parallel_loop3A_168 = arith.constant 64 : index
        %parallel_loop3A_169 = tpu.vector_load %arg12[%parallel_loop3A_166, %parallel_loop3A_167, %parallel_loop3A_168] {strides = array<i32>} : memref<2x128x128xf32, #tpu.memory_space<vmem>>, vector<1x1x16xf32>,
        %parallel_loop3A_170 = vector.shape_cast %parallel_loop3A_169 : vector<1x1x16xf32> to vector<16xf32>
        %parallel_loop3A_171 = arith.index_cast %parallel_loop3A_125 : i32 to index
        %parallel_loop3A_172 = arith.constant 64 : index
        %parallel_loop3A_173 = tpu.vector_load %arg9[%parallel_loop3A_171, %parallel_loop3A_172] {strides = array<i32>} : memref<200x128xf32, #tpu.memory_space<vmem>>, vector<1x16xf32>,
        %parallel_loop3A_174 = vector.shape_cast %parallel_loop3A_173 : vector<1x16xf32> to vector<16xf32>
        %parallel_loop3A_175 = arith.addf %parallel_loop3A_170, %parallel_loop3A_174 : vector<16xf32>
        %parallel_loop3A_176 = arith.index_cast %rem3A_84 : i32 to index
        %parallel_loop3A_177 = arith.index_cast %parallel_loop3A_122 : i32 to index
        %parallel_loop3A_178 = arith.constant 80 : index
        %parallel_loop3A_179 = tpu.vector_load %arg12[%parallel_loop3A_176, %parallel_loop3A_177, %parallel_loop3A_178] {strides = array<i32>} : memref<2x128x128xf32, #tpu.memory_space<vmem>>, vector<1x1x16xf32>,
        %parallel_loop3A_180 = vector.shape_cast %parallel_loop3A_179 : vector<1x1x16xf32> to vector<16xf32>
        %parallel_loop3A_181 = arith.index_cast %parallel_loop3A_125 : i32 to index
        %parallel_loop3A_182 = arith.constant 80 : index
        %parallel_loop3A_183 = tpu.vector_load %arg9[%parallel_loop3A_181, %parallel_loop3A_182] {strides = array<i32>} : memref<200x128xf32, #tpu.memory_space<vmem>>, vector<1x16xf32>,
        %parallel_loop3A_184 = vector.shape_cast %parallel_loop3A_183 : vector<1x16xf32> to vector<16xf32>
        %parallel_loop3A_185 = arith.addf %parallel_loop3A_180, %parallel_loop3A_184 : vector<16xf32>
        %parallel_loop3A_186 = arith.index_cast %rem3A_84 : i32 to index
        %parallel_loop3A_187 = arith.index_cast %parallel_loop3A_122 : i32 to index
        %parallel_loop3A_188 = arith.constant 96 : index
        %parallel_loop3A_189 = tpu.vector_load %arg12[%parallel_loop3A_186, %parallel_loop3A_187, %parallel_loop3A_188] {strides = array<i32>} : memref<2x128x128xf32, #tpu.memory_space<vmem>>, vector<1x1x16xf32>,
        %parallel_loop3A_190 = vector.shape_cast %parallel_loop3A_189 : vector<1x1x16xf32> to vector<16xf32>
        %parallel_loop3A_191 = arith.index_cast %parallel_loop3A_125 : i32 to index
        %parallel_loop3A_192 = arith.constant 96 : index
        %parallel_loop3A_193 = tpu.vector_load %arg9[%parallel_loop3A_191, %parallel_loop3A_192] {strides = array<i32>} : memref<200x128xf32, #tpu.memory_space<vmem>>, vector<1x16xf32>,
        %parallel_loop3A_194 = vector.shape_cast %parallel_loop3A_193 : vector<1x16xf32> to vector<16xf32>
        %parallel_loop3A_195 = arith.addf %parallel_loop3A_190, %parallel_loop3A_194 : vector<16xf32>
        %parallel_loop3A_196 = arith.index_cast %rem3A_84 : i32 to index
        %parallel_loop3A_197 = arith.index_cast %parallel_loop3A_122 : i32 to index
        %parallel_loop3A_198 = arith.constant 112 : index
        %parallel_loop3A_199 = tpu.vector_load %arg12[%parallel_loop3A_196, %parallel_loop3A_197, %parallel_loop3A_198] {strides = array<i32>} : memref<2x128x128xf32, #tpu.memory_space<vmem>>, vector<1x1x16xf32>,
        %parallel_loop3A_200 = vector.shape_cast %parallel_loop3A_199 : vector<1x1x16xf32> to vector<16xf32>
        %parallel_loop3A_201 = arith.index_cast %parallel_loop3A_125 : i32 to index
        %parallel_loop3A_202 = arith.constant 112 : index
        %parallel_loop3A_203 = tpu.vector_load %arg9[%parallel_loop3A_201, %parallel_loop3A_202] {strides = array<i32>} : memref<200x128xf32, #tpu.memory_space<vmem>>, vector<1x16xf32>,
        %parallel_loop3A_204 = vector.shape_cast %parallel_loop3A_203 : vector<1x16xf32> to vector<16xf32>
        %parallel_loop3A_205 = arith.addf %parallel_loop3A_200, %parallel_loop3A_204 : vector<16xf32>
        %parallel_loop3A_206 = arith.addf %parallel_loop3A_135, %parallel_loop3A_145 : vector<16xf32>
        %parallel_loop3A_207 = arith.addf %parallel_loop3A_155, %parallel_loop3A_165 : vector<16xf32>
        %parallel_loop3A_208 = arith.addf %parallel_loop3A_206, %parallel_loop3A_207 : vector<16xf32>
        %parallel_loop3A_209 = arith.addf %parallel_loop3A_175, %parallel_loop3A_185 : vector<16xf32>
        %parallel_loop3A_210 = arith.addf %parallel_loop3A_195, %parallel_loop3A_205 : vector<16xf32>
        %parallel_loop3A_211 = arith.addf %parallel_loop3A_209, %parallel_loop3A_210 : vector<16xf32>
        %parallel_loop3A_212 = arith.addf %parallel_loop3A_208, %parallel_loop3A_211 : vector<16xf32>
        %parallel_loop3A_213 = arith.mulf %parallel_loop3A_135, %parallel_loop3A_135 : vector<16xf32>
        %parallel_loop3A_214 = arith.mulf %parallel_loop3A_145, %parallel_loop3A_145 : vector<16xf32>
        %parallel_loop3A_215 = arith.addf %parallel_loop3A_213, %parallel_loop3A_214 : vector<16xf32>
        %parallel_loop3A_216 = arith.mulf %parallel_loop3A_155, %parallel_loop3A_155 : vector<16xf32>
        %parallel_loop3A_217 = arith.mulf %parallel_loop3A_165, %parallel_loop3A_165 : vector<16xf32>
        %parallel_loop3A_218 = arith.addf %parallel_loop3A_216, %parallel_loop3A_217 : vector<16xf32>
        %parallel_loop3A_219 = arith.addf %parallel_loop3A_215, %parallel_loop3A_218 : vector<16xf32>
        %parallel_loop3A_220 = arith.mulf %parallel_loop3A_175, %parallel_loop3A_175 : vector<16xf32>
        %parallel_loop3A_221 = arith.mulf %parallel_loop3A_185, %parallel_loop3A_185 : vector<16xf32>
        %parallel_loop3A_222 = arith.addf %parallel_loop3A_220, %parallel_loop3A_221 : vector<16xf32>
        %parallel_loop3A_223 = arith.mulf %parallel_loop3A_195, %parallel_loop3A_195 : vector<16xf32>
        %parallel_loop3A_224 = arith.mulf %parallel_loop3A_205, %parallel_loop3A_205 : vector<16xf32>
        %parallel_loop3A_225 = arith.addf %parallel_loop3A_223, %parallel_loop3A_224 : vector<16xf32>
        %parallel_loop3A_226 = arith.addf %parallel_loop3A_222, %parallel_loop3A_225 : vector<16xf32>
        %parallel_loop3A_227 = arith.addf %parallel_loop3A_219, %parallel_loop3A_226 : vector<16xf32>
        %parallel_loop3A_228 = tpu.iota {dimensions = array<i32: 0>} : vector<16xi32>
        %parallel_loop3A_229 = arith.constant 8 : i32
        %parallel_loop3A_230 = vector.broadcast %parallel_loop3A_229 : i32 to vector<16xi32>
        %parallel_loop3A_231 = arith.xori %parallel_loop3A_228, %parallel_loop3A_230 : vector<16xi32>
        %parallel_loop3A_232 = arith.constant 0 : i32
        %parallel_loop3A_233 = vector.broadcast %parallel_loop3A_232 : i32 to vector<16xi32>
        %parallel_loop3A_234 = arith.cmpi slt, %parallel_loop3A_231, %parallel_loop3A_233 : vector<16xi32>
        %parallel_loop3A_235 = arith.constant 16 : i32
        %parallel_loop3A_236 = vector.broadcast %parallel_loop3A_235 : i32 to vector<16xi32>
        %parallel_loop3A_237 = arith.addi %parallel_loop3A_231, %parallel_loop3A_236 : vector<16xi32>
        %parallel_loop3A_238 = arith.select %parallel_loop3A_234, %parallel_loop3A_237, %parallel_loop3A_231 : vector<16xi1>, vector<16xi32>
        %parallel_loop3A_239 = vector.shape_cast %parallel_loop3A_238 : vector<16xi32> to vector<16x1xi32>
        %parallel_loop3A_240 = vector.shape_cast %parallel_loop3A_239 : vector<16x1xi32> to vector<16xi32>
        %parallel_loop3A_241 = tpu.dynamic_gather %parallel_loop3A_212[%parallel_loop3A_240] in [0] : vector<16xf32>, vector<16xi32> -> vector<16xf32>
        %parallel_loop3A_242 = arith.addf %parallel_loop3A_212, %parallel_loop3A_241 : vector<16xf32>
        %parallel_loop3A_243 = arith.constant 0 : i32
        %parallel_loop3A_244 = vector.broadcast %parallel_loop3A_243 : i32 to vector<16xi32>
        %parallel_loop3A_245 = arith.cmpi slt, %parallel_loop3A_231, %parallel_loop3A_244 : vector<16xi32>
        %parallel_loop3A_246 = arith.constant 16 : i32
        %parallel_loop3A_247 = vector.broadcast %parallel_loop3A_246 : i32 to vector<16xi32>
        %parallel_loop3A_248 = arith.addi %parallel_loop3A_231, %parallel_loop3A_247 : vector<16xi32>
        %parallel_loop3A_249 = arith.select %parallel_loop3A_245, %parallel_loop3A_248, %parallel_loop3A_231 : vector<16xi1>, vector<16xi32>
        %parallel_loop3A_250 = vector.shape_cast %parallel_loop3A_249 : vector<16xi32> to vector<16x1xi32>
        %parallel_loop3A_251 = vector.shape_cast %parallel_loop3A_250 : vector<16x1xi32> to vector<16xi32>
        %parallel_loop3A_252 = tpu.dynamic_gather %parallel_loop3A_227[%parallel_loop3A_251] in [0] : vector<16xf32>, vector<16xi32> -> vector<16xf32>
        %parallel_loop3A_253 = arith.addf %parallel_loop3A_227, %parallel_loop3A_252 : vector<16xf32>
        %parallel_loop3A_254 = arith.constant 4 : i32
        %parallel_loop3A_255 = vector.broadcast %parallel_loop3A_254 : i32 to vector<16xi32>
        %parallel_loop3A_256 = arith.xori %parallel_loop3A_228, %parallel_loop3A_255 : vector<16xi32>
        %parallel_loop3A_257 = arith.constant 0 : i32
        %parallel_loop3A_258 = vector.broadcast %parallel_loop3A_257 : i32 to vector<16xi32>
        %parallel_loop3A_259 = arith.cmpi slt, %parallel_loop3A_256, %parallel_loop3A_258 : vector<16xi32>
        %parallel_loop3A_260 = arith.constant 16 : i32
        %parallel_loop3A_261 = vector.broadcast %parallel_loop3A_260 : i32 to vector<16xi32>
        %parallel_loop3A_262 = arith.addi %parallel_loop3A_256, %parallel_loop3A_261 : vector<16xi32>
        %parallel_loop3A_263 = arith.select %parallel_loop3A_259, %parallel_loop3A_262, %parallel_loop3A_256 : vector<16xi1>, vector<16xi32>
        %parallel_loop3A_264 = vector.shape_cast %parallel_loop3A_263 : vector<16xi32> to vector<16x1xi32>
        %parallel_loop3A_265 = vector.shape_cast %parallel_loop3A_264 : vector<16x1xi32> to vector<16xi32>
        %parallel_loop3A_266 = tpu.dynamic_gather %parallel_loop3A_242[%parallel_loop3A_265] in [0] : vector<16xf32>, vector<16xi32> -> vector<16xf32>
        %parallel_loop3A_267 = arith.addf %parallel_loop3A_242, %parallel_loop3A_266 : vector<16xf32>
        %parallel_loop3A_268 = arith.constant 0 : i32
        %parallel_loop3A_269 = vector.broadcast %parallel_loop3A_268 : i32 to vector<16xi32>
        %parallel_loop3A_270 = arith.cmpi slt, %parallel_loop3A_256, %parallel_loop3A_269 : vector<16xi32>
        %parallel_loop3A_271 = arith.constant 16 : i32
        %parallel_loop3A_272 = vector.broadcast %parallel_loop3A_271 : i32 to vector<16xi32>
        %parallel_loop3A_273 = arith.addi %parallel_loop3A_256, %parallel_loop3A_272 : vector<16xi32>
        %parallel_loop3A_274 = arith.select %parallel_loop3A_270, %parallel_loop3A_273, %parallel_loop3A_256 : vector<16xi1>, vector<16xi32>
        %parallel_loop3A_275 = vector.shape_cast %parallel_loop3A_274 : vector<16xi32> to vector<16x1xi32>
        %parallel_loop3A_276 = vector.shape_cast %parallel_loop3A_275 : vector<16x1xi32> to vector<16xi32>
        %parallel_loop3A_277 = tpu.dynamic_gather %parallel_loop3A_253[%parallel_loop3A_276] in [0] : vector<16xf32>, vector<16xi32> -> vector<16xf32>
        %parallel_loop3A_278 = arith.addf %parallel_loop3A_253, %parallel_loop3A_277 : vector<16xf32>
        %parallel_loop3A_279 = arith.constant 2 : i32
        %parallel_loop3A_280 = vector.broadcast %parallel_loop3A_279 : i32 to vector<16xi32>
        %parallel_loop3A_281 = arith.xori %parallel_loop3A_228, %parallel_loop3A_280 : vector<16xi32>
        %parallel_loop3A_282 = arith.constant 0 : i32
        %parallel_loop3A_283 = vector.broadcast %parallel_loop3A_282 : i32 to vector<16xi32>
        %parallel_loop3A_284 = arith.cmpi slt, %parallel_loop3A_281, %parallel_loop3A_283 : vector<16xi32>
        %parallel_loop3A_285 = arith.constant 16 : i32
        %parallel_loop3A_286 = vector.broadcast %parallel_loop3A_285 : i32 to vector<16xi32>
        %parallel_loop3A_287 = arith.addi %parallel_loop3A_281, %parallel_loop3A_286 : vector<16xi32>
        %parallel_loop3A_288 = arith.select %parallel_loop3A_284, %parallel_loop3A_287, %parallel_loop3A_281 : vector<16xi1>, vector<16xi32>
        %parallel_loop3A_289 = vector.shape_cast %parallel_loop3A_288 : vector<16xi32> to vector<16x1xi32>
        %parallel_loop3A_290 = vector.shape_cast %parallel_loop3A_289 : vector<16x1xi32> to vector<16xi32>
        %parallel_loop3A_291 = tpu.dynamic_gather %parallel_loop3A_267[%parallel_loop3A_290] in [0] : vector<16xf32>, vector<16xi32> -> vector<16xf32>
        %parallel_loop3A_292 = arith.addf %parallel_loop3A_267, %parallel_loop3A_291 : vector<16xf32>
        %parallel_loop3A_293 = arith.constant 0 : i32
        %parallel_loop3A_294 = vector.broadcast %parallel_loop3A_293 : i32 to vector<16xi32>
        %parallel_loop3A_295 = arith.cmpi slt, %parallel_loop3A_281, %parallel_loop3A_294 : vector<16xi32>
        %parallel_loop3A_296 = arith.constant 16 : i32
        %parallel_loop3A_297 = vector.broadcast %parallel_loop3A_296 : i32 to vector<16xi32>
        %parallel_loop3A_298 = arith.addi %parallel_loop3A_281, %parallel_loop3A_297 : vector<16xi32>
        %parallel_loop3A_299 = arith.select %parallel_loop3A_295, %parallel_loop3A_298, %parallel_loop3A_281 : vector<16xi1>, vector<16xi32>
        %parallel_loop3A_300 = vector.shape_cast %parallel_loop3A_299 : vector<16xi32> to vector<16x1xi32>
        %parallel_loop3A_301 = vector.shape_cast %parallel_loop3A_300 : vector<16x1xi32> to vector<16xi32>
        %parallel_loop3A_302 = tpu.dynamic_gather %parallel_loop3A_278[%parallel_loop3A_301] in [0] : vector<16xf32>, vector<16xi32> -> vector<16xf32>
        %parallel_loop3A_303 = arith.addf %parallel_loop3A_278, %parallel_loop3A_302 : vector<16xf32>
        %parallel_loop3A_304 = arith.constant 1 : i32
        %parallel_loop3A_305 = vector.broadcast %parallel_loop3A_304 : i32 to vector<16xi32>
        %parallel_loop3A_306 = arith.xori %parallel_loop3A_228, %parallel_loop3A_305 : vector<16xi32>
        %parallel_loop3A_307 = arith.constant 0 : i32
        %parallel_loop3A_308 = vector.broadcast %parallel_loop3A_307 : i32 to vector<16xi32>
        %parallel_loop3A_309 = arith.cmpi slt, %parallel_loop3A_306, %parallel_loop3A_308 : vector<16xi32>
        %parallel_loop3A_310 = arith.constant 16 : i32
        %parallel_loop3A_311 = vector.broadcast %parallel_loop3A_310 : i32 to vector<16xi32>
        %parallel_loop3A_312 = arith.addi %parallel_loop3A_306, %parallel_loop3A_311 : vector<16xi32>
        %parallel_loop3A_313 = arith.select %parallel_loop3A_309, %parallel_loop3A_312, %parallel_loop3A_306 : vector<16xi1>, vector<16xi32>
        %parallel_loop3A_314 = vector.shape_cast %parallel_loop3A_313 : vector<16xi32> to vector<16x1xi32>
        %parallel_loop3A_315 = vector.shape_cast %parallel_loop3A_314 : vector<16x1xi32> to vector<16xi32>
        %parallel_loop3A_316 = tpu.dynamic_gather %parallel_loop3A_292[%parallel_loop3A_315] in [0] : vector<16xf32>, vector<16xi32> -> vector<16xf32>
        %parallel_loop3A_317 = arith.addf %parallel_loop3A_292, %parallel_loop3A_316 : vector<16xf32>
        %parallel_loop3A_318 = arith.constant 0 : i32
        %parallel_loop3A_319 = vector.broadcast %parallel_loop3A_318 : i32 to vector<16xi32>
        %parallel_loop3A_320 = arith.cmpi slt, %parallel_loop3A_306, %parallel_loop3A_319 : vector<16xi32>
        %parallel_loop3A_321 = arith.constant 16 : i32
        %parallel_loop3A_322 = vector.broadcast %parallel_loop3A_321 : i32 to vector<16xi32>
        %parallel_loop3A_323 = arith.addi %parallel_loop3A_306, %parallel_loop3A_322 : vector<16xi32>
        %parallel_loop3A_324 = arith.select %parallel_loop3A_320, %parallel_loop3A_323, %parallel_loop3A_306 : vector<16xi1>, vector<16xi32>
        %parallel_loop3A_325 = vector.shape_cast %parallel_loop3A_324 : vector<16xi32> to vector<16x1xi32>
        %parallel_loop3A_326 = vector.shape_cast %parallel_loop3A_325 : vector<16x1xi32> to vector<16xi32>
        %parallel_loop3A_327 = tpu.dynamic_gather %parallel_loop3A_303[%parallel_loop3A_326] in [0] : vector<16xf32>, vector<16xi32> -> vector<16xf32>
        %parallel_loop3A_328 = arith.addf %parallel_loop3A_303, %parallel_loop3A_327 : vector<16xf32>
        %parallel_loop3A_329 = arith.constant 7.812500e-03 : f32
        %parallel_loop3A_330 = vector.broadcast %parallel_loop3A_329 : f32 to vector<16xf32>
        %parallel_loop3A_331 = arith.mulf %parallel_loop3A_317, %parallel_loop3A_330 : vector<16xf32>
        %parallel_loop3A_332 = arith.constant 7.812500e-03 : f32
        %parallel_loop3A_333 = vector.broadcast %parallel_loop3A_332 : f32 to vector<16xf32>
        %parallel_loop3A_334 = arith.mulf %parallel_loop3A_328, %parallel_loop3A_333 : vector<16xf32>
        %parallel_loop3A_335 = arith.mulf %parallel_loop3A_331, %parallel_loop3A_331 : vector<16xf32>
        %parallel_loop3A_336 = arith.subf %parallel_loop3A_334, %parallel_loop3A_335 : vector<16xf32>
        %parallel_loop3A_337 = arith.constant 9.99999974E-6 : f32
        %parallel_loop3A_338 = vector.broadcast %parallel_loop3A_337 : f32 to vector<16xf32>
        %parallel_loop3A_339 = arith.addf %parallel_loop3A_336, %parallel_loop3A_338 : vector<16xf32>
        %parallel_loop3A_340 = tpu.bitcast %parallel_loop3A_339 : vector<16xf32> -> vector<16xi32>
        %parallel_loop3A_341 = arith.constant 1 : i32
        %parallel_loop3A_342 = vector.broadcast %parallel_loop3A_341 : i32 to vector<16xi32>
        %parallel_loop3A_343 = arith.shrsi %parallel_loop3A_340, %parallel_loop3A_342 : vector<16xi32>
        %parallel_loop3A_344 = arith.constant 1597463007 : i32
        %parallel_loop3A_345 = vector.broadcast %parallel_loop3A_344 : i32 to vector<16xi32>
        %parallel_loop3A_346 = arith.subi %parallel_loop3A_345, %parallel_loop3A_343 : vector<16xi32>
        %parallel_loop3A_347 = tpu.bitcast %parallel_loop3A_346 : vector<16xi32> -> vector<16xf32>
        %parallel_loop3A_348 = arith.constant 5.000000e-01 : f32
        %parallel_loop3A_349 = vector.broadcast %parallel_loop3A_348 : f32 to vector<16xf32>
        %parallel_loop3A_350 = arith.mulf %parallel_loop3A_349, %parallel_loop3A_339 : vector<16xf32>
        %parallel_loop3A_351 = arith.mulf %parallel_loop3A_350, %parallel_loop3A_347 : vector<16xf32>
        %parallel_loop3A_352 = arith.mulf %parallel_loop3A_351, %parallel_loop3A_347 : vector<16xf32>
        %parallel_loop3A_353 = arith.constant 1.500000e+00 : f32
        %parallel_loop3A_354 = vector.broadcast %parallel_loop3A_353 : f32 to vector<16xf32>
        %parallel_loop3A_355 = arith.subf %parallel_loop3A_354, %parallel_loop3A_352 : vector<16xf32>
        %parallel_loop3A_356 = arith.mulf %parallel_loop3A_347, %parallel_loop3A_355 : vector<16xf32>
        %parallel_loop3A_357 = arith.constant 5.000000e-01 : f32
        %parallel_loop3A_358 = vector.broadcast %parallel_loop3A_357 : f32 to vector<16xf32>
        %parallel_loop3A_359 = arith.mulf %parallel_loop3A_358, %parallel_loop3A_339 : vector<16xf32>
        %parallel_loop3A_360 = arith.mulf %parallel_loop3A_359, %parallel_loop3A_356 : vector<16xf32>
        %parallel_loop3A_361 = arith.mulf %parallel_loop3A_360, %parallel_loop3A_356 : vector<16xf32>
        %parallel_loop3A_362 = arith.constant 1.500000e+00 : f32
        %parallel_loop3A_363 = vector.broadcast %parallel_loop3A_362 : f32 to vector<16xf32>
        %parallel_loop3A_364 = arith.subf %parallel_loop3A_363, %parallel_loop3A_361 : vector<16xf32>
        %parallel_loop3A_365 = arith.mulf %parallel_loop3A_356, %parallel_loop3A_364 : vector<16xf32>
        %parallel_loop3A_366 = arith.constant 5.000000e-01 : f32
        %parallel_loop3A_367 = vector.broadcast %parallel_loop3A_366 : f32 to vector<16xf32>
        %parallel_loop3A_368 = arith.mulf %parallel_loop3A_367, %parallel_loop3A_339 : vector<16xf32>
        %parallel_loop3A_369 = arith.mulf %parallel_loop3A_368, %parallel_loop3A_365 : vector<16xf32>
        %parallel_loop3A_370 = arith.mulf %parallel_loop3A_369, %parallel_loop3A_365 : vector<16xf32>
        %parallel_loop3A_371 = arith.constant 1.500000e+00 : f32
        %parallel_loop3A_372 = vector.broadcast %parallel_loop3A_371 : f32 to vector<16xf32>
        %parallel_loop3A_373 = arith.subf %parallel_loop3A_372, %parallel_loop3A_370 : vector<16xf32>
        %parallel_loop3A_374 = arith.mulf %parallel_loop3A_365, %parallel_loop3A_373 : vector<16xf32>
        %parallel_loop3A_375 = arith.constant 0.000000e+00 : f32
        %parallel_loop3A_376 = vector.broadcast %parallel_loop3A_375 : f32 to vector<16xf32>
        %parallel_loop3A_377 = arith.subf %parallel_loop3A_376, %parallel_loop3A_331 : vector<16xf32>
        %parallel_loop3A_378 = arith.mulf %parallel_loop3A_377, %parallel_loop3A_374 : vector<16xf32>
        %parallel_loop3A_379 = arith.mulf %parallel_loop3A_135, %parallel_loop3A_374 : vector<16xf32>
        %parallel_loop3A_380 = arith.addf %parallel_loop3A_379, %parallel_loop3A_378 : vector<16xf32>
        %parallel_loop3A_381 = arith.mulf %parallel_loop3A_380, %get3A_4 : vector<16xf32>
        %parallel_loop3A_382 = arith.addf %parallel_loop3A_381, %get3A_28 : vector<16xf32>
        %parallel_loop3A_383 = arith.index_cast %rem3A_84 : i32 to index
        %parallel_loop3A_384 = arith.index_cast %parallel_loop3A_122 : i32 to index
        %parallel_loop3A_385 = arith.constant 0 : index
        %parallel_loop3A_386 = tpu.vector_load %arg12[%parallel_loop3A_383, %parallel_loop3A_384, %parallel_loop3A_385] {strides = array<i32>} : memref<2x128x128xf32, #tpu.memory_space<vmem>>, vector<1x1x16xf32>,
        %parallel_loop3A_387 = vector.shape_cast %parallel_loop3A_386 : vector<1x1x16xf32> to vector<16xf32>
        %parallel_loop3A_388 = vector.shape_cast %parallel_loop3A_382 : vector<16xf32> to vector<1x1x16xf32>
        tpu.vector_store %arg12[%parallel_loop3A_383, %parallel_loop3A_384, %parallel_loop3A_385], %parallel_loop3A_388 {strides = array<i32>} : memref<2x128x128xf32, #tpu.memory_space<vmem>>, vector<1x1x16xf32>,
        %parallel_loop3A_389 = arith.mulf %parallel_loop3A_145, %parallel_loop3A_374 : vector<16xf32>
        %parallel_loop3A_390 = arith.addf %parallel_loop3A_389, %parallel_loop3A_378 : vector<16xf32>
        %parallel_loop3A_391 = arith.mulf %parallel_loop3A_390, %get3A_7 : vector<16xf32>
        %parallel_loop3A_392 = arith.addf %parallel_loop3A_391, %get3A_31 : vector<16xf32>
        %parallel_loop3A_393 = arith.index_cast %rem3A_84 : i32 to index
        %parallel_loop3A_394 = arith.index_cast %parallel_loop3A_122 : i32 to index
        %parallel_loop3A_395 = arith.constant 16 : index
        %parallel_loop3A_396 = tpu.vector_load %arg12[%parallel_loop3A_393, %parallel_loop3A_394, %parallel_loop3A_395] {strides = array<i32>} : memref<2x128x128xf32, #tpu.memory_space<vmem>>, vector<1x1x16xf32>,
        %parallel_loop3A_397 = vector.shape_cast %parallel_loop3A_396 : vector<1x1x16xf32> to vector<16xf32>
        %parallel_loop3A_398 = vector.shape_cast %parallel_loop3A_392 : vector<16xf32> to vector<1x1x16xf32>
        tpu.vector_store %arg12[%parallel_loop3A_393, %parallel_loop3A_394, %parallel_loop3A_395], %parallel_loop3A_398 {strides = array<i32>} : memref<2x128x128xf32, #tpu.memory_space<vmem>>, vector<1x1x16xf32>,
        %parallel_loop3A_399 = arith.mulf %parallel_loop3A_155, %parallel_loop3A_374 : vector<16xf32>
        %parallel_loop3A_400 = arith.addf %parallel_loop3A_399, %parallel_loop3A_378 : vector<16xf32>
        %parallel_loop3A_401 = arith.mulf %parallel_loop3A_400, %get3A_10 : vector<16xf32>
        %parallel_loop3A_402 = arith.addf %parallel_loop3A_401, %get3A_34 : vector<16xf32>
        %parallel_loop3A_403 = arith.index_cast %rem3A_84 : i32 to index
        %parallel_loop3A_404 = arith.index_cast %parallel_loop3A_122 : i32 to index
        %parallel_loop3A_405 = arith.constant 32 : index
        %parallel_loop3A_406 = tpu.vector_load %arg12[%parallel_loop3A_403, %parallel_loop3A_404, %parallel_loop3A_405] {strides = array<i32>} : memref<2x128x128xf32, #tpu.memory_space<vmem>>, vector<1x1x16xf32>,
        %parallel_loop3A_407 = vector.shape_cast %parallel_loop3A_406 : vector<1x1x16xf32> to vector<16xf32>
        %parallel_loop3A_408 = vector.shape_cast %parallel_loop3A_402 : vector<16xf32> to vector<1x1x16xf32>
        tpu.vector_store %arg12[%parallel_loop3A_403, %parallel_loop3A_404, %parallel_loop3A_405], %parallel_loop3A_408 {strides = array<i32>} : memref<2x128x128xf32, #tpu.memory_space<vmem>>, vector<1x1x16xf32>,
        %parallel_loop3A_409 = arith.mulf %parallel_loop3A_165, %parallel_loop3A_374 : vector<16xf32>
        %parallel_loop3A_410 = arith.addf %parallel_loop3A_409, %parallel_loop3A_378 : vector<16xf32>
        %parallel_loop3A_411 = arith.mulf %parallel_loop3A_410, %get3A_13 : vector<16xf32>
        %parallel_loop3A_412 = arith.addf %parallel_loop3A_411, %get3A_37 : vector<16xf32>
        %parallel_loop3A_413 = arith.index_cast %rem3A_84 : i32 to index
        %parallel_loop3A_414 = arith.index_cast %parallel_loop3A_122 : i32 to index
        %parallel_loop3A_415 = arith.constant 48 : index
        %parallel_loop3A_416 = tpu.vector_load %arg12[%parallel_loop3A_413, %parallel_loop3A_414, %parallel_loop3A_415] {strides = array<i32>} : memref<2x128x128xf32, #tpu.memory_space<vmem>>, vector<1x1x16xf32>,
        %parallel_loop3A_417 = vector.shape_cast %parallel_loop3A_416 : vector<1x1x16xf32> to vector<16xf32>
        %parallel_loop3A_418 = vector.shape_cast %parallel_loop3A_412 : vector<16xf32> to vector<1x1x16xf32>
        tpu.vector_store %arg12[%parallel_loop3A_413, %parallel_loop3A_414, %parallel_loop3A_415], %parallel_loop3A_418 {strides = array<i32>} : memref<2x128x128xf32, #tpu.memory_space<vmem>>, vector<1x1x16xf32>,
        %parallel_loop3A_419 = arith.mulf %parallel_loop3A_175, %parallel_loop3A_374 : vector<16xf32>
        %parallel_loop3A_420 = arith.addf %parallel_loop3A_419, %parallel_loop3A_378 : vector<16xf32>
        %parallel_loop3A_421 = arith.mulf %parallel_loop3A_420, %get3A_16 : vector<16xf32>
        %parallel_loop3A_422 = arith.addf %parallel_loop3A_421, %get3A_40 : vector<16xf32>
        %parallel_loop3A_423 = arith.index_cast %rem3A_84 : i32 to index
        %parallel_loop3A_424 = arith.index_cast %parallel_loop3A_122 : i32 to index
        %parallel_loop3A_425 = arith.constant 64 : index
        %parallel_loop3A_426 = tpu.vector_load %arg12[%parallel_loop3A_423, %parallel_loop3A_424, %parallel_loop3A_425] {strides = array<i32>} : memref<2x128x128xf32, #tpu.memory_space<vmem>>, vector<1x1x16xf32>,
        %parallel_loop3A_427 = vector.shape_cast %parallel_loop3A_426 : vector<1x1x16xf32> to vector<16xf32>
        %parallel_loop3A_428 = vector.shape_cast %parallel_loop3A_422 : vector<16xf32> to vector<1x1x16xf32>
        tpu.vector_store %arg12[%parallel_loop3A_423, %parallel_loop3A_424, %parallel_loop3A_425], %parallel_loop3A_428 {strides = array<i32>} : memref<2x128x128xf32, #tpu.memory_space<vmem>>, vector<1x1x16xf32>,
        %parallel_loop3A_429 = arith.mulf %parallel_loop3A_185, %parallel_loop3A_374 : vector<16xf32>
        %parallel_loop3A_430 = arith.addf %parallel_loop3A_429, %parallel_loop3A_378 : vector<16xf32>
        %parallel_loop3A_431 = arith.mulf %parallel_loop3A_430, %get3A_19 : vector<16xf32>
        %parallel_loop3A_432 = arith.addf %parallel_loop3A_431, %get3A_43 : vector<16xf32>
        %parallel_loop3A_433 = arith.index_cast %rem3A_84 : i32 to index
        %parallel_loop3A_434 = arith.index_cast %parallel_loop3A_122 : i32 to index
        %parallel_loop3A_435 = arith.constant 80 : index
        %parallel_loop3A_436 = tpu.vector_load %arg12[%parallel_loop3A_433, %parallel_loop3A_434, %parallel_loop3A_435] {strides = array<i32>} : memref<2x128x128xf32, #tpu.memory_space<vmem>>, vector<1x1x16xf32>,
        %parallel_loop3A_437 = vector.shape_cast %parallel_loop3A_436 : vector<1x1x16xf32> to vector<16xf32>
        %parallel_loop3A_438 = vector.shape_cast %parallel_loop3A_432 : vector<16xf32> to vector<1x1x16xf32>
        tpu.vector_store %arg12[%parallel_loop3A_433, %parallel_loop3A_434, %parallel_loop3A_435], %parallel_loop3A_438 {strides = array<i32>} : memref<2x128x128xf32, #tpu.memory_space<vmem>>, vector<1x1x16xf32>,
        %parallel_loop3A_439 = arith.mulf %parallel_loop3A_195, %parallel_loop3A_374 : vector<16xf32>
        %parallel_loop3A_440 = arith.addf %parallel_loop3A_439, %parallel_loop3A_378 : vector<16xf32>
        %parallel_loop3A_441 = arith.mulf %parallel_loop3A_440, %get3A_22 : vector<16xf32>
        %parallel_loop3A_442 = arith.addf %parallel_loop3A_441, %get3A_46 : vector<16xf32>
        %parallel_loop3A_443 = arith.index_cast %rem3A_84 : i32 to index
        %parallel_loop3A_444 = arith.index_cast %parallel_loop3A_122 : i32 to index
        %parallel_loop3A_445 = arith.constant 96 : index
        %parallel_loop3A_446 = tpu.vector_load %arg12[%parallel_loop3A_443, %parallel_loop3A_444, %parallel_loop3A_445] {strides = array<i32>} : memref<2x128x128xf32, #tpu.memory_space<vmem>>, vector<1x1x16xf32>,
        %parallel_loop3A_447 = vector.shape_cast %parallel_loop3A_446 : vector<1x1x16xf32> to vector<16xf32>
        %parallel_loop3A_448 = vector.shape_cast %parallel_loop3A_442 : vector<16xf32> to vector<1x1x16xf32>
        tpu.vector_store %arg12[%parallel_loop3A_443, %parallel_loop3A_444, %parallel_loop3A_445], %parallel_loop3A_448 {strides = array<i32>} : memref<2x128x128xf32, #tpu.memory_space<vmem>>, vector<1x1x16xf32>,
        %parallel_loop3A_449 = arith.mulf %parallel_loop3A_205, %parallel_loop3A_374 : vector<16xf32>
        %parallel_loop3A_450 = arith.addf %parallel_loop3A_449, %parallel_loop3A_378 : vector<16xf32>
        %parallel_loop3A_451 = arith.mulf %parallel_loop3A_450, %get3A_25 : vector<16xf32>
        %parallel_loop3A_452 = arith.addf %parallel_loop3A_451, %get3A_49 : vector<16xf32>
        %parallel_loop3A_453 = arith.index_cast %rem3A_84 : i32 to index
        %parallel_loop3A_454 = arith.index_cast %parallel_loop3A_122 : i32 to index
        %parallel_loop3A_455 = arith.constant 112 : index
        %parallel_loop3A_456 = tpu.vector_load %arg12[%parallel_loop3A_453, %parallel_loop3A_454, %parallel_loop3A_455] {strides = array<i32>} : memref<2x128x128xf32, #tpu.memory_space<vmem>>, vector<1x1x16xf32>,
        %parallel_loop3A_457 = vector.shape_cast %parallel_loop3A_456 : vector<1x1x16xf32> to vector<16xf32>
        %parallel_loop3A_458 = vector.shape_cast %parallel_loop3A_452 : vector<16xf32> to vector<1x1x16xf32>
        tpu.vector_store %arg12[%parallel_loop3A_453, %parallel_loop3A_454, %parallel_loop3A_455], %parallel_loop3A_458 {strides = array<i32>} : memref<2x128x128xf32, #tpu.memory_space<vmem>>, vector<1x1x16xf32>,
      } {sc.loop_unroll_factor = 16 : i64, sc.parallel_access}
      %mul3A_106 = arith.constant 128 : i32
      %mul3A_107 = arith.muli %add3A_83, %mul3A_106 : i32
      %add3A_108 = arith.addi %mul3A_2, %mul3A_107 : i32
      %multiple_of3A_109 = tpu.assume_multiple %add3A_108, 128 : i32
      %dma_start3A_110 = arith.constant 0 : i32
      %dma_start3A_111 = arith.constant 0 : i32
      %dma_start3A_112 = tpu.memref_slice %arg12[%rem3A_84, %dma_start3A_110, %dma_start3A_111] : memref<2x128x128xf32, #tpu.memory_space<vmem>> -> memref<1x128x128xf32, #tpu.memory_space<vmem>>
      %dma_start3A_113 = tpu.memref_squeeze %dma_start3A_112 : memref<1x128x128xf32, #tpu.memory_space<vmem>> -> memref<128x128xf32, #tpu.memory_space<vmem>>
      %dma_start3A_114 = arith.constant 0 : i32
      %dma_start3A_115 = tpu.memref_slice %arg7[%multiple_of3A_109, %dma_start3A_114] : memref<204800x128xf32, #tpu.memory_space<hbm>> -> memref<128x128xf32, #tpu.memory_space<hbm>>
      %dma_start3A_116 = arith.constant 0 : i32
      %dma_start3A_117 = tpu.memref_slice %arg7[%multiple_of3A_109, %dma_start3A_116] : memref<204800x128xf32, #tpu.memory_space<hbm>> -> memref<128x128xf32, #tpu.memory_space<hbm>>
      %dma_start3A_118 = arith.constant 0 : i32
      %dma_start3A_119 = arith.constant 0 : i32
      %dma_start3A_120 = tpu.memref_slice %arg12[%rem3A_84, %dma_start3A_118, %dma_start3A_119] : memref<2x128x128xf32, #tpu.memory_space<vmem>> -> memref<1x128x128xf32, #tpu.memory_space<vmem>>
      %dma_start3A_121 = tpu.memref_squeeze %dma_start3A_120 : memref<1x128x128xf32, #tpu.memory_space<vmem>> -> memref<128x128xf32, #tpu.memory_space<vmem>>
      tpu.enqueue_dma source(%dma_start3A_121 : memref<128x128xf32, #tpu.memory_space<vmem>>) target(%dma_start3A_117 : memref<128x128xf32, #tpu.memory_space<hbm>>) target_semaphore(%arg14 : memref<!tpu.dma_semaphore, #tpu.memory_space<semaphore_mem>>)
    }
    %scan3A_64 = arith.constant 50 : i32
    %add3A_65 = arith.constant 6272 : i32
    %add3A_66 = arith.addi %mul3A_2, %add3A_65 : i32
    %multiple_of3A = tpu.assume_multiple %add3A_66, 128 : i32
    %dma_wait3A = arith.constant 1 : i32
    %dma_wait3A_67 = arith.constant 0 : i32
    %dma_wait3A_68 = arith.constant 0 : i32
    %dma_wait3A_69 = tpu.memref_slice %arg12[%dma_wait3A, %dma_wait3A_67, %dma_wait3A_68] : memref<2x128x128xf32, #tpu.memory_space<vmem>> -> memref<1x128x128xf32, #tpu.memory_space<vmem>>
    %dma_wait3A_70 = tpu.memref_squeeze %dma_wait3A_69 : memref<1x128x128xf32, #tpu.memory_space<vmem>> -> memref<128x128xf32, #tpu.memory_space<vmem>>
    %dma_wait3A_71 = arith.constant 0 : i32
    %dma_wait3A_72 = tpu.memref_slice %arg7[%multiple_of3A, %dma_wait3A_71] : memref<204800x128xf32, #tpu.memory_space<hbm>> -> memref<128x128xf32, #tpu.memory_space<hbm>>
    %dma_wait3A_73 = arith.constant 0 : i32
    %dma_wait3A_74 = tpu.memref_slice %arg7[%multiple_of3A, %dma_wait3A_73] : memref<204800x128xf32, #tpu.memory_space<hbm>> -> memref<128x128xf32, #tpu.memory_space<hbm>>
    %dma_wait3A_75 = arith.constant 0 : i32
    %dma_wait3A_76 = arith.constant 0 : i32
    %dma_wait3A_77 = tpu.memref_slice %arg12[%dma_wait3A, %dma_wait3A_75, %dma_wait3A_76] : memref<2x128x128xf32, #tpu.memory_space<vmem>> -> memref<1x128x128xf32, #tpu.memory_space<vmem>>
    %dma_wait3A_78 = tpu.memref_squeeze %dma_wait3A_77 : memref<1x128x128xf32, #tpu.memory_space<vmem>> -> memref<128x128xf32, #tpu.memory_space<vmem>>
    tpu.wait_dma2 semaphore(%arg14 : memref<!tpu.dma_semaphore, #tpu.memory_space<semaphore_mem>>) src(%dma_wait3A_78 : memref<128x128xf32, #tpu.memory_space<vmem>>) dst(%dma_wait3A_74 : memref<128x128xf32, #tpu.memory_space<hbm>>)
    return
  }
}

</mosaic_0001>

<sc_bundles>
// kernel: kernel.3.cloned.1.call-start
scs
__scs_entry_jumppad:
0x0: {  	(pc) =	sbr.rel $0x88, $3  }
0x1: {  	(tag) =	ssettag $0x0;
	lr =	simm.s32 $0x1  }
0x2: {  	[smem:$0x3F9C] =	sst lr;
	_ =	strace $0xD0000000  }
0x3: {  	_ = 	snop  }
0x4: {  	_ = 	snop  }
0x5: {  	_ = 	snop  }
0x6: {  	_ = 	snop  }
0x7: {  	_ = 	snop  }
__scs_overlays_trampoline_lowered:
0x8: {  	[smem:$0x3FAB] =	sst s0  }
0x9: {  	[smem:$0x3FAC] =	sst s1  }
0xa: {  	[smem:$0x3FAD] =	sst s2  }
0xb: {  	[smem:$0x3FAE] =	sst s3  }
0xc: {  	[smem:$0x3FAF] =	sst s4  }
0xd: {  	[smem:$0x3FB0] =	sst s5  }
0xe: {  	[smem:$0x3FB1] =	sst s6  }
0xf: {  	[smem:$0x3FB2] =	sst s7  }
0x10: {  	[smem:$0x3FB3] =	sst s8  }
0x11: {  	[smem:$0x3FB4] =	sst s9;
	s0 =	simm.s32 @!p0 $0x0  }
0x12: {  	s1 =	sld [smem:$0x3F9A];
	s0 =	simm.s32 @p0 $0x1  }
0x13: {  	[smem:$0x3FB5] =	sst s0;
	s0 =	simm.s32 @!p1 $0x0  }
0x14: {  	s2 =	sld [smem:$0x3F99];
	s0 =	simm.s32 @p1 $0x1  }
0x15: {  	[smem:$0x3FB6] =	sst s0;
	s0 =	simm.s32 @!p2 $0x0  }
0x16: {  	s3 =	sld [smem:$0x3FDB];
	s0 =	simm.s32 @p2 $0x1  }
0x17: {  	s4 =	simm.s32 $0x1BF5;
	[smem:$0x3FB8] =	sst s0  }
0x18: {  	s0 =	sld [smem:$0x3F9B];
	_ =	swait.ge [sflag:s4], $0x0  }
0x19: {  	s7 =	sld [smem:$0x3F9C]  }
0x1a: {  	s8 =	sadd.s32 $0xFFFFE003, lr  }
0x1b: {  	s9 =	sadd.s32 $0xFFFFFEF7, lr;
	s5 =	simm.s32 $0xFFFFFFFF;
	p2 =	slt.u32 s8, $0xFFFFF086  }
0x1c: {  	p1 =	slt.u32 s9, $0xF7A;
	s5 =	simm.s32 @!p2 $0x0  }
0x1d: {  	s5 =	simm.s32 @p1 $0x1;
	p0 =	seq.s32 s7, s2  }
0x1e: {  	s7 =	smul.u32 @!p0 $0xF7A, s2;
	p2 =	seq.s32 @!p0 s5, $0x0  }
0x1f: {  	s9 =	smul.u32 $0xF7A, s1;
	s8 =	simm.s32 @!p0 $0x1BF5;
	p2 =	por !p2, p0  }
0x20: {  	[sflag:s8] =	ssyncset.s32 @!p0 $0xFFFFF086;
	s6 =	sadd.s32 @!p0 s3, s7;
	s7 =	simm.s32 @!p0 $0x108  }
0x21: {  	s3 =	sadd.s32 s3, s9;
	s6 =	sadd.s32 @!p0 $0x88, s6;
	s7 =	simm.s32 @p2 $0x1082  }
0x22: {  	[simem:s7], [sflag:s8] =	dma.local @!p0 [hbm:s6], $0xF7A  }
0x23: {  	s9 =	sor.u32 $0xD0000000, s2;
	s6 =	simm.s32 $0x108;
	_ =	swait.ge @!p0 [sflag:s8], $0x0  }
0x24: {  	s3 =	sadd.s32 $0x88, s3;
	s6 =	simm.s32 @!p1 $0x1082;
	[sflag:s4] =	ssyncset.s32 $0xFFFFF086  }
0x25: {  	[simem:s6], [sflag:s4] =	dma.local [hbm:s3], $0xF7A  }
0x26: {  	[smem:$0x3F9C] =	sst s1;
	(tag) =	ssettag s2;
	_ =	strace s9  }
0x27: {  	s1 =	sld [smem:$0x3FAC]  }
0x28: {  	s2 =	sld [smem:$0x3FAD]  }
0x29: {  	s4 =	sld [smem:$0x3FAF]  }
0x2a: {  	p0 =	seq.s32 s5, $0x0;
	s5 =	sld [smem:$0x3FB0]  }
0x2b: {  	s6 =	sld [smem:$0x3FB1]  }
0x2c: {  	s7 =	sld [smem:$0x3FB2]  }
0x2d: {  	s3 =	simm.s32 $0x108;
	s8 =	sld [smem:$0x3FB3]  }
0x2e: {  	s3 =	simm.s32 @!p0 $0x1082;
	s9 =	sld [smem:$0x3FB4]  }
0x2f: {  	lr =	sadd.s32 s0, s3;
	s0 =	sld [smem:$0x3FAB]  }
0x30: {  	s3 =	sld [smem:$0x3FAE]  }
0x31: {  	[smem:$0x3FB7] =	sst s10  }
0x32: {  	s10 =	sld [smem:$0x3FB5];
	_ =	sdelay $0x3  }
0x33: {  	p0 =	seq.s32 s10, $0x1;
	s10 =	sld [smem:$0x3FB7];
	_ =	sdelay $0x3  }
0x34: {  	[smem:$0x3FB7] =	sst s10  }
0x35: {  	s10 =	sld [smem:$0x3FB6];
	_ =	sdelay $0x3  }
0x36: {  	p1 =	seq.s32 s10, $0x1;
	s10 =	sld [smem:$0x3FB7];
	_ =	sdelay $0x3  }
0x37: {  	[smem:$0x3FB7] =	sst s10  }
0x38: {  	s10 =	sld [smem:$0x3FB8]  }
0x39: {  	_ = 	snop;
	(pc) =	sbr.ind lr, $3  }
0x3a: {  	_ = 	snop  }
0x3b: {  	_ = 	snop  }
0x3c: {  	p2 =	seq.s32 s10, $0x1;
	s10 =	sld [smem:$0x3FB7]  }
0x3d: {  	_ =	shalt  }
0x3e: {  	_ =	shalt  }
0x3f: {  	_ =	shalt  }
0x40: {  	_ =	shalt  }
0x41: {  	_ =	shalt  }
0x42: {  	_ =	shalt  }
0x43: {  	_ =	shalt  }
0x44: {  	_ =	shalt  }
0x45: {  	_ =	shalt  }
0x46: {  	_ =	shalt  }
0x47: {  	_ =	shalt  }
0x48: {  	_ =	shalt  }
0x49: {  	_ =	shalt  }
0x4a: {  	_ =	shalt  }
0x4b: {  	_ =	shalt  }
0x4c: {  	_ =	shalt  }
0x4d: {  	_ =	shalt  }
0x4e: {  	_ =	shalt  }
0x4f: {  	_ =	shalt  }
0x50: {  	_ =	shalt  }
0x51: {  	_ =	shalt  }
0x52: {  	_ =	shalt  }
0x53: {  	_ =	shalt  }
0x54: {  	_ =	shalt  }
0x55: {  	_ =	shalt  }
0x56: {  	_ =	shalt  }
0x57: {  	_ =	shalt  }
0x58: {  	_ =	shalt  }
0x59: {  	_ =	shalt  }
0x5a: {  	_ =	shalt  }
0x5b: {  	_ =	shalt  }
0x5c: {  	_ =	shalt  }
0x5d: {  	_ =	shalt  }
0x5e: {  	_ =	shalt  }
0x5f: {  	_ =	shalt  }
0x60: {  	_ =	shalt  }
0x61: {  	_ =	shalt  }
0x62: {  	_ =	shalt  }
0x63: {  	_ =	shalt  }
0x64: {  	_ =	shalt  }
0x65: {  	_ =	shalt  }
0x66: {  	_ =	shalt  }
0x67: {  	_ =	shalt  }
0x68: {  	_ =	shalt  }
0x69: {  	_ =	shalt  }
0x6a: {  	_ =	shalt  }
0x6b: {  	_ =	shalt  }
0x6c: {  	_ =	shalt  }
0x6d: {  	_ =	shalt  }
0x6e: {  	_ =	shalt  }
0x6f: {  	_ =	shalt  }
0x70: {  	_ =	shalt  }
0x71: {  	_ =	shalt  }
0x72: {  	_ =	shalt  }
0x73: {  	_ =	shalt  }
0x74: {  	_ =	shalt  }
0x75: {  	_ =	shalt  }
0x76: {  	_ =	shalt  }
0x77: {  	_ =	shalt  }
0x78: {  	_ =	shalt  }
0x79: {  	_ =	shalt  }
0x7a: {  	_ =	shalt  }
0x7b: {  	_ =	shalt  }
0x7c: {  	_ =	shalt  }
0x7d: {  	_ =	shalt  }
0x7e: {  	_ =	shalt  }
0x7f: {  	_ =	shalt  }
0x80: {  	_ =	shalt  }
0x81: {  	_ =	shalt  }
0x82: {  	_ =	shalt  }
0x83: {  	_ =	shalt  }
0x84: {  	_ =	shalt  }
0x85: {  	_ =	shalt  }
0x86: {  	_ =	shalt  }
0x87: {  	_ =	shalt  }
.Lfunc_end0:
.L_simem_size_0:
called_computation_lowered:
.L_overlay_start_0:
0x88: {  	s2 =	sld [smem:$0x3FD9]  }
0x89: {  	s3 =	sld [smem:$0x3FFE];
	_ =	sdelay $0x1  }
0x8a: {  	s1 =	srdreg.scid  }
0x8b: {  	s0 =	sand.u32 $0x1, s1  }
0x8c: {  	s17 =	sshll.u32 s0, $0xA;
	s2 =	sadd.s32 s3, s2  }
0x8d: {  	s2 =	sadd.s32 s2, s17  }
0x8e: {  	[smem:$0x3FC3] =	sst s2  }
0x8f: {  	_ = 	snop  }
0x90: {  	s2 =	sld [smem:$0x3FC8]  }
0x91: {  	s18 =	sld [smem:$0x3FC7]  }
0x92: {  	s4 =	sld [smem:$0x3FC6]  }
0x93: {  	s5 =	sld [smem:$0x3FC5]  }
0x94: {  	s6 =	sld [smem:$0x3FD0];
	(tm) =	ssettm $0x1  }
0x95: {  	s7 =	sld [smem:$0x3FFB];
	_ =	sdelay $0x3  }
0x96: {  	_ =	strace s7  }
0x97: {  	s7 =	sld [smem:$0x3FFC];
	_ =	sdelay $0x3  }
0x98: {  	_ =	strace s7  }
0x99: {  	s7 =	sld [smem:$0x3FFD];
	_ =	sdelay $0x3  }
0x9a: {  	_ =	strace s7  }
0x9b: {  	_ =	strace $0x8FFFFFFF  }
0x9c: {  	s19 =	sld [smem:$0x3FDB];
	_ =	sdelay $0x1  }
0x9d: {  	s8 =	simm.s32 $_scs_section_size  }
0x9e: {  	s9 =	simm.s32 $_size__tile_overlayer_lowered;
	s10 =	simm.s32 $_tile_overlayer_lowered  }
0x9f: {  	s22 =	simm.s32 $0x1BFF;
	s21 =	sshll.u32 s10, $0x1;
	s7 =	sadd.s32 s8, s19  }
0xa0: {  	s11 =	simm.s32 $0x0;
	s20 =	sshll.u32 s9, $0x1;
	s9 =	sadd.s32 s21, s7  }
0xa1: {  	[timem:s11], [sflag:s22] =	dma.local [hbm:s9], s20  }
0xa2: {  	_ =	swait.ge [sflag:s22], s20  }
0xa3: {  	s8 =	ssub.s32 $0x0, s20;
	[sflag:s22] =	ssyncset.done $0x0  }
0xa4: {  	[sflag:s22] =	ssyncadd.s32 s8;
	_ =	sdelay $0x1  }
0xa5: {  	s23 =	simm.s32 $0x1B8B  }
0xa6: {  	_ =	swait.ge [sflag:s23], $0x1  }
0xa7: {  	[sflag:s23] =	ssyncset.done $0x0  }
0xa8: {  	s25 =	simm.s32 $0x1B8E;
	s24 =	sld [smem:$0x3FFE];
	[sflag:s23] =	ssyncadd.s32 $0xFFFFFFFF  }
0xa9: {  	s26 =	simm.s32 $execute0_lowered;
	[smem:$0x3FD2] =	sst s25  }
0xaa: {  	s9 =	sshll.u32 s26, $0x1;
	_ =	strace $0x80000046;
	[dreg:$0x1] =	wrdreg $0xFFFFFFFF  }
0xab: {  	s28 =	simm.s32 $_size_execute0_lowered;
	s7 =	sadd.s32 s7, s9;
	[dreg:$0x0] =	wrdreg $0x0  }
0xac: {  	s9 =	sshll.u32 s28, $0x1;
	[dreg:$0x2] =	wrdreg s7  }
0xad: {  	[dreg:$0x3] =	wrdreg s9  }
0xae: {  	[dreg:$0x4] =	wrdreg $0xC0  }
0xaf: {  	_ =	task [dreg:s11], $0x5FFFF  }
0xb0: {  	[dreg:$0x1] =	wrdreg $0xFFFFFFFF  }
0xb1: {  	[dreg:$0x0] =	wrdreg $0x60  }
0xb2: {  	[dreg:$0x2] =	wrdreg s24  }
0xb3: {  	[dreg:$0x3] =	wrdreg s2  }
0xb4: {  	[dreg:$0x4] =	wrdreg s18  }
0xb5: {  	[dreg:$0x5] =	wrdreg s4  }
0xb6: {  	[dreg:$0x6] =	wrdreg s5  }
0xb7: {  	[dreg:$0x7] =	wrdreg s6  }
0xb8: {  	[dreg:$0x8] =	wrdreg $0x9  }
0xb9: {  	_ =	task.clear_ibuf [dreg:s11], $0x9FFFF;
	_ =	strace $0x90000046  }
0xba: {  	s29 =	simm.s32 $0x9;
	_ =	strace $0x80000048  }
0xbb: {  	_ =	swait.ge [sflag:s29], $0x1  }
0xbc: {  	[sflag:s29] =	ssyncadd.s32 $0xFFFFFFFF  }
0xbd: {  	_ =	strace $0x90000048  }
0xbe: {  	_ =	sfence  }
0xbf: {  	s30 =	sld [smem:$0x0];
	_ =	sdelay $0x2  }
0xc0: {  	s31 =	sshll.u32 s1, $0xD;
	s1 =	sshrl.u32 s1, $0x2  }
0xc1: {  	s3 =	sand.u32 $0x4000, s31;
	s1 =	sadd.s32 s1, s30  }
0xc2: {  	s0 =	sor.u32 s3, s0;
	s1 =	sshll.u32 s1, $0x11  }
0xc3: {  	s0 =	sor.u32 s1, s0  }
0xc4: {  	s0 =	sadd.s32 $0x8F2B, s0  }
0xc5: {  	[sflag:s0] =	ssyncadd.remote.s32 $0x1  }
0xc6: {  	_ =	sfence.sel $0xFFFF  }
0xc7: {  	[dreg:$0x0] =	wrdreg $0xFFFFFFFF;
	(pc) =	sbr.abs _section_cstart, $3  }
0xc8: {  	[dreg:$0x1] =	wrdreg $0xFFFFFFFF  }
0xc9: {  	_ =	task.clear_ibuf [dreg:s11], $0x2FFFF;
	_ =	strace $0x9FFFFFFF  }
0xca: {  	(tm) =	ssettm $0x7FFFFFFF  }
0xcb: {  	_ =	shalt  }
tec
execute0_lowered:
.L_overlay_start_1:
0x0: {  	(tag) =	ssettag $0x1  }
0x1: {  	v0 =	vimm.s32 $0xFEDCBA98  }
0x2: {  	v1 =	vimm.s32 $0x76543210;
	v2 =	vimm.s32 $0xBA98FEDC;
	v3 =	vimm.s32 $0x32107654  }
0x3: {  	v4 =	vimm.s32 $0xDCFE98BA;
	v5 =	vimm.s32 $0x54761032;
	v6 =	vimm.s32 $0xEFCDAB89  }
0x4: {  	s1 =	rddreg [dreg:$0x0];
	v7 =	vimm.s32 $0x67452301;
	v2 =	vunpack.c.l.s4.s8 v2;
	v3 =	vunpack.c.l.s4.s8 v3  }
0x5: {  	s0 =	rddreg [dreg:$0x1];
	s2 =	srdreg.scid;
	v4 =	vunpack.c.l.s4.s8 v4;
	v5 =	vunpack.c.l.s4.s8 v5;
	v6 =	vunpack.c.l.s4.s8 v6  }
0x6: {  	s3 =	stileid.u32;
	s6 =	rddreg [dreg:$0x5];
	s7 =	simm.s32 $0x0;
	v7 =	vunpack.c.l.s4.s8 v7;
	v2 =	vunpack.c.0.s8.s32 v2;
	v3 =	vunpack.c.0.s8.s32 v3  }
0x7: {  	s11 =	simm.s32 $0x3;
	s13 =	simm.s32 $0x8000;
	s14 =	simm.s32 $0x8080;
	v0 =	vunpack.c.l.s4.s8 v0;
	v4 =	vunpack.c.0.s8.s32 v4;
	v5 =	vunpack.c.0.s8.s32 v5  }
0x8: {  	s15 =	simm.s32 $0x80;
	s2 =	sand.u32 $0x1, s2;
	s3 =	sshll.u32 s3, $0x1;
	v6 =	vunpack.c.0.s8.s32 v6;
	v7 =	vunpack.c.0.s8.s32 v7;
	v2 =	vcombine.low v3, v2  }
0x9: {  	s16 =	simm.s32 $0x8100;
	s17 =	simm.s32 $0x1;
	v1 =	vunpack.c.l.s4.s8 v1;
	s3 =	sor.u32 s2, s3;
	v62 =	vcombine.low v5, v4  }
0xa: {  	[smem:$0x7FF] =	sst s7;
	s2 =	ssub.s32 $0x2, s2;
	v0 =	vunpack.c.0.s8.s32 v0;
	s5 =	smul.u32 $0x380, s3;
	v63 =	vcombine.low v7, v6;
	v46 =	vand.u32 $0xF, v2  }
0xb: {  	s18 =	simm.s32 $0x2;
	_ =	strace $0x80000047;
	s8 =	sshrl.u32 s2, $0x1;
	v1 =	vunpack.c.0.s8.s32 v1;
	v13 =	vand.u32 $0xF, v62;
	[tilespmem:$0x1FFD0] =	vst v46  }
0xc: {  	s19 =	simm.s32 $0x0;
	s2 =	ssub.s32 s2, s8;
	s1 =	sadd.s32 s5, s1;
	v0 =	vand.u32 $0xF, v0;
	v38 =	vand.u32 $0xF, v63;
	[tilespmem:$0x1FFE0] =	vst v13  }
0xd: {  	s8 =	smul.u32 $0x1900, s3;
	s10 =	smax.u32 s2, $0x1;
	s9 =	sadd.s32 $0x400, s1;
	v42 =	vcombine.low v0, v1;
	[tilespmem:$0x1FFF0] =	vst v38  }
.LBB2_1:
0xe: {  	[tilespmem:s7], [sflag:$0x3] =	stream.linear.gather [hbm4b:s9+s7], $0x1900, $0x38;
	[tilespmem:$0x10100] =	vst v63  }
0xf: {  	_ =	swait.ge [sflag:s11], $0x1900  }
0x10: {  	[sflag:s11] =	ssyncset.done $0x0  }
0x11: {  	[sflag:s11] =	ssyncadd.s32 $0xFFFFE700  }
0x12: {  	s2 =	simm.s32 $0x1C00;
	s1 =	rddreg [dreg:$0x2]  }
0x13: {  	[tilespmem:s2], [sflag:$0x3] =	stream.linear.gather [hbm4b:s1+s7], $0x6400, $0x38;
	[tilespmem:$0x10100] =	vst v63  }
0x14: {  	_ =	swait.ge [sflag:s11], $0x6400  }
0x15: {  	[sflag:s11] =	ssyncset.done $0x0  }
0x16: {  	[sflag:s11] =	ssyncadd.s32 $0xFFFF9C00  }
0x17: {  	s30 =	rddreg [dreg:$0x3]  }
0x18: {  	[tilespmem:s13], [sflag:$0x3] =	stream.linear.gather [hbm4b:s30+s7], $0x80, $0x38;
	[tilespmem:$0x10100] =	vst v63  }
0x19: {  	_ =	swait.ge [sflag:s11], $0x80  }
0x1a: {  	[sflag:s11] =	ssyncset.done $0x0  }
0x1b: {  	[sflag:s11] =	ssyncadd.s32 $0xFFFFFF80  }
0x1c: {  	s31 =	rddreg [dreg:$0x4]  }
0x1d: {  	[tilespmem:s14], [sflag:$0x3] =	stream.linear.gather [hbm4b:s31+s7], $0x80, $0x38;
	[tilespmem:$0x10100] =	vst v63  }
0x1e: {  	_ =	swait.ge [sflag:s11], $0x80  }
0x1f: {  	[sflag:s11] =	ssyncset.done $0x0  }
0x20: {  	[sflag:s11] =	ssyncadd.s32 $0xFFFFFF80  }
0x21: {  	v0 =	vld [tilespmem:$0x8000]  }
0x22: {  	v1 =	vld [tilespmem:$0x8010]  }
0x23: {  	v2 =	vld [tilespmem:$0x8020]  }
0x24: {  	v3 =	vld [tilespmem:$0x8030]  }
0x25: {  	v4 =	vld [tilespmem:$0x8040]  }
0x26: {  	v5 =	vld [tilespmem:$0x8050]  }
0x27: {  	v6 =	vld [tilespmem:$0x8060]  }
0x28: {  	v7 =	vld [tilespmem:$0x8070]  }
0x29: {  	v8 =	vld [tilespmem:$0x8080]  }
0x2a: {  	v9 =	vld [tilespmem:$0x8090]  }
0x2b: {  	v10 =	vld [tilespmem:$0x80A0]  }
0x2c: {  	v11 =	vld [tilespmem:$0x80B0]  }
0x2d: {  	v16 =	vld [tilespmem:$0x80C0]  }
0x2e: {  	v12 =	vld [tilespmem:$0x80D0]  }
0x2f: {  	v14 =	vld [tilespmem:$0x80E0]  }
0x30: {  	v15 =	vld [tilespmem:$0x80F0];
	[tilespmem:s16], [sflag:$0x1] =	stream.indirect.gather [hbm4b:s0+s15], $0x80, s7, s15, $0xb8  }
0x31: {  	[tilespmem:$0x1FED0] =	vst v10  }
0x32: {  	[tilespmem:$0x1FEE0] =	vst v11  }
0x33: {  	[tilespmem:$0x1FEF0] =	vst v16  }
0x34: {  	[tilespmem:$0x1FF00] =	vst v12  }
0x35: {  	[tilespmem:$0x1FF10] =	vst v14  }
0x36: {  	[tilespmem:$0x1FF20] =	vst v15  }
0x37: {  	[tilespmem:$0x1FF30] =	vst v6  }
0x38: {  	[tilespmem:$0x1FF40] =	vst v7  }
0x39: {  	[tilespmem:$0x1FF50] =	vst v8  }
0x3a: {  	[tilespmem:$0x1FF60] =	vst v9  }
0x3b: {  	[tilespmem:$0x1FF70] =	vst v0  }
0x3c: {  	[tilespmem:$0x1FF80] =	vst v1  }
0x3d: {  	[tilespmem:$0x1FF90] =	vst v2  }
0x3e: {  	[tilespmem:$0x1FFA0] =	vst v3  }
0x3f: {  	[tilespmem:$0x1FFB0] =	vst v4  }
0x40: {  	s1 =	simm.s32 $0x0;
	[tilespmem:$0x1FFC0] =	vst v5  }
.LBB2_2:
0x41: {  	p0 =	seq.s32 s1, $0x0  }
.Ltmp0:
0x42: {  	_ = 	snop;
	(pc) =	sbr.rel @p0 .LBB2_5-.Ltmp0, $4  }
0x43: {  	_ = 	snop  }
0x44: {  	_ =	swait.ge [sflag:s17], $0x4000  }
0x45: {  	s2 =	sshll.u32 s1, $0xE;
	[sflag:s17] =	ssyncset.done $0x0  }
0x46: {  	s20 =	sadd.s32 $0x1, s1;
	s2 =	sand.u32 $0x4000, s2;
	[sflag:s17] =	ssyncadd.s32 $0xFFFFC000  }
0x47: {  	p0 =	seq.s32 s1, $0x31  }
.Ltmp1:
0x48: {  	_ = 	snop;
	(pc) =	sbr.rel @p0 .LBB2_6-.Ltmp1, $1  }
0x49: {  	_ =	sdelay $0x3  }
0x4a: {  	_ =	swait.ge [sflag:s18], $0x4000  }
0x4b: {  	[sflag:s18] =	ssyncset.done $0x0  }
0x4c: {  	[sflag:s18] =	ssyncadd.s32 $0xFFFFC000  }
.LBB2_5:
0x4d: {  	s3 =	sshll.u32 s20, $0x7  }
0x4e: {  	s5 =	ssub.s32 $0xC100, s2;
	s3 =	sand.u32 $0x3FFFFF80, s3  }
0x4f: {  	[tilespmem:s5], [sflag:$0x1] =	stream.indirect.gather [hbm4b:s0+s15], $0x80, s3, s15, $0xb8;
	[tilespmem:$0x10100] =	vst v63  }
.LBB2_6:
0x50: {  	s3 =	sshll.u32 s1, $0x4  }
0x51: {  	s3 =	sand.u32 $0x1FF0, s3  }
0x52: {  	s3 =	smul.u32 $0x147B, s3;
	_ =	sdelay $0x1  }
0x53: {  	s3 =	sshrl.u32 s3, $0x11  }
0x54: {  	s21 =	sor.u32 $0x8100, s2;
	s3 =	smul.u32 $0xC8, s3  }
0x55: {  	s22 =	sshll.u32 s1, $0x7;
	v20 =	vmov s21  }
0x56: {  	s1 =	ssub.s32 s22, s3  }
0x57: {  	s24 =	simm.s32 $0x0;
	s23 =	sand.u32 $0xFFF8, s1  }
.LBB2_7:
0x58: {  	s1 =	sadd.s32 s23, s24;
	s25 =	sshll.u32 s24, $0x7  }
0x59: {  	s2 =	sshll.u32 s1, $0x9;
	p0 =	slt.u32 s1, $0xC8;
	s1 =	sand.u32 $0x3FFFFF80, s25  }
0x5a: {  	v4 =	vld.idx.msk [tilespmem:v20+s1+$0x0 ss:$0x1], $0xffff  }
0x5b: {  	v6 =	vld.idx.msk [tilespmem:v20+s1+$0x10 ss:$0x1], $0xffff  }
0x5c: {  	v8 =	vld.idx.msk [tilespmem:v20+s1+$0x20 ss:$0x1], $0xffff  }
0x5d: {  	v10 =	vld.idx.msk [tilespmem:v20+s1+$0x30 ss:$0x1], $0xffff  }
0x5e: {  	v14 =	vld.idx.msk [tilespmem:v20+s1+$0x40 ss:$0x1], $0xffff  }
0x5f: {  	s3 =	sadd.s32 $0xFFFE7000, s2;
	v16 =	vld.idx.msk [tilespmem:v20+s1+$0x50 ss:$0x1], $0xffff  }
0x60: {  	v18 =	vld.idx.msk [tilespmem:v20+s1+$0x60 ss:$0x1], $0xffff;
	s3 =	smov.u32 @p0 s2  }
0x61: {  	v23 =	vld.idx.msk [tilespmem:v20+s1+$0x70 ss:$0x1], $0xffff;
	s2 =	sshra.s32 s3, $0x2  }
0x62: {  	v5 =	vld [tilespmem:s2+$0x1C00]  }
0x63: {  	v7 =	vld [tilespmem:s2+$0x1C10]  }
0x64: {  	v9 =	vld [tilespmem:s2+$0x1C20]  }
0x65: {  	v11 =	vld [tilespmem:s2+$0x1C30]  }
0x66: {  	v15 =	vld [tilespmem:s2+$0x1C40]  }
0x67: {  	v17 =	vld [tilespmem:s2+$0x1C50]  }
0x68: {  	v22 =	vld [tilespmem:s2+$0x1C60]  }
0x69: {  	v24 =	vld [tilespmem:s2+$0x1C70]  }
0x6a: {  	v21 =	vadd.f32 v5, v4  }
0x6b: {  	v3 =	vadd.f32 v7, v6;
	v2 =	vadd.f32 v9, v8  }
0x6c: {  	v11 =	vadd.f32 v11, v10;
	v9 =	vadd.f32 v15, v14  }
0x6d: {  	v7 =	vadd.f32 v17, v16;
	v8 =	vadd.f32 v22, v18  }
0x6e: {  	s26 =	sor.u32 $0x1, s24;
	v5 =	vadd.f32 v24, v23;
	v4 =	vadd.f32 v3, v21  }
0x6f: {  	s28 =	sadd.s32 s23, s26;
	v31 =	vadd.f32 v11, v2;
	v32 =	vadd.f32 v7, v9;
	v33 =	vmul.f32 v21, v21  }
0x70: {  	s25 =	sshll.u32 s28, $0x9;
	v14 =	vadd.f32 v5, v8;
	v15 =	vmul.f32 v3, v3;
	v34 =	vmul.f32 v11, v11  }
0x71: {  	p0 =	slt.u32 s28, $0xC8;
	s3 =	sadd.s32 $0xFFFE7000, s25;
	s2 =	sshll.u32 s26, $0x7;
	v35 =	vmul.f32 v9, v9;
	v18 =	vmul.f32 v7, v7  }
0x72: {  	s3 =	smov.u32 @p0 s25;
	s5 =	sand.u32 $0x3FFFFF80, s2;
	v36 =	vmul.f32 v8, v8;
	v4 =	vadd.f32 v31, v4;
	v10 =	vadd.f32 v14, v32  }
0x73: {  	s29 =	sshra.s32 s3, $0x2;
	v37 =	vld.idx.msk [tilespmem:v20+s5+$0x0 ss:$0x1], $0xffff;
	v22 =	vmul.f32 v5, v5;
	v14 =	vmul.f32 v2, v2;
	v6 =	vadd.f32 v15, v33  }
0x74: {  	v39 =	vld [tilespmem:s29+$0x1C00];
	v15 =	vadd.f32 v18, v35;
	v4 =	vadd.f32 v10, v4  }
0x75: {  	v40 =	vld.idx.msk [tilespmem:v20+s5+$0x30 ss:$0x1], $0xffff;
	v14 =	vadd.f32 v34, v14;
	v10 =	vadd.f32 v22, v36  }
0x76: {  	v25 =	vld [tilespmem:s29+$0x1C30]  }
0x77: {  	v26 =	vld [tilespmem:s29+$0x1C40];
	v6 =	vadd.f32 v14, v6;
	v10 =	vadd.f32 v10, v15  }
0x78: {  	v28 =	vld.idx.msk [tilespmem:v20+s5+$0x50 ss:$0x1], $0xffff;
	v14 =	vperm.xlane v4, v42  }
0x79: {  	v29 =	vld [tilespmem:s29+$0x1C50];
	v6 =	vadd.f32 v10, v6  }
0x7a: {  	v41 =	vld.idx.msk [tilespmem:v20+s5+$0x60 ss:$0x1], $0xffff;
	v4 =	vadd.f32 v4, v14  }
0x7b: {  	v30 =	vld [tilespmem:s29+$0x1C60];
	v10 =	vperm.xlane v6, v42  }
0x7c: {  	v18 =	vld [tilespmem:s29+$0x1C10];
	v23 =	vperm.xlane v4, v46  }
0x7d: {  	v32 =	vld.idx.msk [tilespmem:v20+s5+$0x70 ss:$0x1], $0xffff;
	v6 =	vadd.f32 v6, v10  }
0x7e: {  	v4 =	vadd.f32 v4, v23;
	v23 =	vld.idx.msk [tilespmem:v20+s5+$0x40 ss:$0x1], $0xffff  }
0x7f: {  	v33 =	vld [tilespmem:s29+$0x1C70];
	v10 =	vperm.xlane v6, v46  }
0x80: {  	v22 =	vld [tilespmem:s29+$0x1C20]  }
0x81: {  	v15 =	vld.idx.msk [tilespmem:v20+s5+$0x10 ss:$0x1], $0xffff;
	v27 =	vperm.xlane v4, v13;
	v6 =	vadd.f32 v6, v10  }
0x82: {  	v35 =	vadd.f32 v25, v40;
	v25 =	vadd.f32 v29, v28;
	v14 =	vld.idx.msk [tilespmem:v20+s5+$0x20 ss:$0x1], $0xffff  }
0x83: {  	v4 =	vadd.f32 v4, v27;
	v36 =	vadd.f32 v26, v23;
	v10 =	vperm.xlane v6, v13  }
0x84: {  	v55 =	vadd.f32 v30, v41;
	v45 =	vmul.f32 v35, v35;
	v54 =	vadd.f32 v33, v32  }
0x85: {  	v31 =	vperm.xlane v4, v38;
	v43 =	vadd.f32 v25, v36;
	v34 =	vadd.f32 v6, v10  }
0x86: {  	v47 =	vmul.f32 v25, v25;
	v10 =	vadd.f32 v39, v37;
	v6 =	vadd.f32 v18, v15  }
0x87: {  	v48 =	vmul.f32 v54, v54;
	v31 =	vadd.f32 v31, v4;
	v4 =	vadd.f32 v22, v14  }
0x88: {  	v22 =	vadd.f32 v54, v55;
	v14 =	vadd.f32 v6, v10;
	v17 =	vmul.f32 v10, v10  }
0x89: {  	v15 =	vadd.f32 v35, v4;
	v18 =	vmul.f32 v6, v6;
	v44 =	vmul.f32 v4, v4  }
0x8a: {  	s30 =	sor.u32 $0x2, s24;
	v16 =	vadd.f32 v22, v43;
	v22 =	vmul.f32 v55, v55;
	v49 =	vperm.xlane v34, v38  }
0x8b: {  	s31 =	sadd.s32 s23, s30;
	v14 =	vadd.f32 v15, v14;
	v15 =	vmul.f32 v36, v36;
	v17 =	vadd.f32 v18, v17  }
0x8c: {  	s25 =	sshll.u32 s31, $0x9;
	v27 =	vmul.f32 $7.812500000e-03, v31;
	v18 =	vadd.f32 v45, v44;
	v50 =	vadd.f32 v49, v34  }
0x8d: {  	p0 =	slt.u32 s31, $0xC8;
	s3 =	sadd.s32 $0xFFFE7000, s25;
	v22 =	vadd.f32 v48, v22;
	v15 =	vadd.f32 v47, v15  }
0x8e: {  	s3 =	smov.u32 @p0 s25;
	v51 =	vadd.f32 v18, v17;
	v52 =	vmul.f32 $7.812500000e-03, v50;
	v18 =	vmul.f32 v27, v27  }
0x8f: {  	v0 =	vld [tilespmem:$0x1FFF0];
	s4 =	sshra.s32 s3, $0x2;
	v14 =	vadd.f32 v16, v14;
	v15 =	vadd.f32 v22, v15  }
0x90: {  	v60 =	vld [tilespmem:s4+$0x1C10];
	v17 =	vsub.f32 v52, v18  }
0x91: {  	s2 =	sshll.u32 s30, $0x7;
	v24 =	vld [tilespmem:s4+$0x1C00];
	v53 =	vperm.xlane v14, v42;
	v15 =	vadd.f32 v15, v51  }
0x92: {  	s31 =	sand.u32 $0x3FFFFF80, s2;
	v41 =	vld [tilespmem:s4+$0x1C50];
	v17 =	vadd.f32 $9.999999740e-06, v17  }
0x93: {  	v26 =	vld.idx.msk [tilespmem:v20+s31+$0x10 ss:$0x1], $0xffff;
	v14 =	vadd.f32 v14, v53;
	v56 =	vperm.xlane v15, v42  }
0x94: {  	v39 =	vld.idx.msk [tilespmem:v20+s31+$0x50 ss:$0x1], $0xffff;
	v22 =	vshra.s32 v17, $0x1;
	v17 =	vmul.f32 $5.000000000e-01, v17  }
0x95: {  	v18 =	vld.idx.msk [tilespmem:v20+s31+$0x0 ss:$0x1], $0xffff;
	v57 =	vperm.xlane v14, v46;
	v22 =	vsub.s32 $0x5F3759DF, v22;
	v15 =	vadd.f32 v15, v56  }
0x96: {  	v52 =	vld.idx.msk [tilespmem:v20+s31+$0x40 ss:$0x1], $0xffff;
	v59 =	vmul.f32 v22, v17  }
0x97: {  	v53 =	vld [tilespmem:s4+$0x1C40];
	v14 =	vadd.f32 v14, v57;
	v58 =	vperm.xlane v15, v46  }
0x98: {  	v43 =	vld [tilespmem:s4+$0x1C60];
	v28 =	vmul.f32 v22, v59  }
0x99: {  	v45 =	vld.idx.msk [tilespmem:v20+s31+$0x70 ss:$0x1], $0xffff;
	v61 =	vperm.xlane v14, v13;
	v15 =	vadd.f32 v15, v58  }
0x9a: {  	v23 =	vadd.f32 v60, v26;
	v59 =	vld [tilespmem:s4+$0x1C70];
	v28 =	vsub.f32 $1.500000000e+00, v28  }
0x9b: {  	v33 =	vadd.f32 v41, v39;
	v14 =	vadd.f32 v14, v61;
	v58 =	vld.idx.msk [tilespmem:v20+s31+$0x60 ss:$0x1], $0xffff;
	v48 =	vperm.xlane v15, v13  }
0x9c: {  	v44 =	vadd.f32 v24, v18;
	v1 =	vadd.f32 v53, v52;
	v22 =	vmul.f32 v22, v28  }
0x9d: {  	v49 =	vld.idx.msk [tilespmem:v20+s31+$0x30 ss:$0x1], $0xffff;
	v41 =	vmul.f32 v33, v33;
	v51 =	vperm.xlane v14, v38;
	v15 =	vadd.f32 v15, v48  }
0x9e: {  	v50 =	vld [tilespmem:s4+$0x1C30];
	v31 =	vmul.f32 v1, v1;
	v61 =	vadd.f32 v23, v44;
	v57 =	vmul.f32 v22, v17  }
0x9f: {  	v62 =	vld.idx.msk [tilespmem:v20+s31+$0x20 ss:$0x1], $0xffff;
	v60 =	vadd.f32 v59, v45;
	v14 =	vadd.f32 v51, v14;
	v56 =	vperm.xlane v15, v0  }
0xa0: {  	v63 =	vld [tilespmem:s4+$0x1C20];
	v38 =	vadd.f32 v33, v1;
	v28 =	vadd.f32 v43, v58;
	v34 =	vmul.f32 v57, v22  }
0xa1: {  	v46 =	vmul.f32 v60, v60;
	v14 =	vmul.f32 $7.812500000e-03, v14;
	v15 =	vadd.f32 v56, v15  }
0xa2: {  	s12 =	sor.u32 $0x3, s24;
	v43 =	vadd.f32 v60, v28;
	v40 =	vmul.f32 v28, v28;
	v47 =	vsub.f32 $1.500000000e+00, v34  }
0xa3: {  	s2 =	sshll.u32 s12, $0x7;
	v37 =	vmul.f32 v14, v14;
	v34 =	vadd.f32 v50, v49;
	v15 =	vmul.f32 $7.812500000e-03, v15  }
0xa4: {  	s26 =	sadd.s32 s23, s12;
	s30 =	sand.u32 $0x3FFFFF80, s2;
	v49 =	vadd.f32 v41, v31;
	v50 =	vadd.f32 v46, v40;
	v22 =	vmul.f32 v47, v22  }
0xa5: {  	s25 =	sshll.u32 s26, $0x9;
	v29 =	vld.idx.msk [tilespmem:v20+s30+$0x0 ss:$0x1], $0xffff;
	v18 =	vmul.f32 v44, v44;
	v15 =	vsub.f32 v15, v37;
	v37 =	vadd.f32 v63, v62  }
0xa6: {  	p0 =	slt.u32 s26, $0xC8;
	s3 =	sadd.s32 $0xFFFE7000, s25;
	v39 =	vld.idx.msk [tilespmem:v20+s30+$0x10 ss:$0x1], $0xffff;
	v51 =	vadd.f32 v43, v38;
	v62 =	vmul.f32 v23, v23;
	v17 =	vmul.f32 v22, v17  }
0xa7: {  	s3 =	smov.u32 @p0 s25;
	v45 =	vld.idx.msk [tilespmem:v20+s30+$0x40 ss:$0x1], $0xffff;
	v32 =	vmul.f32 v34, v34;
	v63 =	vadd.f32 v34, v37;
	v15 =	vadd.f32 $9.999999740e-06, v15  }
0xa8: {  	s28 =	sshra.s32 s3, $0x2;
	[tilespmem:$0x1F870] =	vst v60;
	v60 =	vld [tilespmem:$0x1FFD0];
	v30 =	vmul.f32 v37, v37;
	v18 =	vadd.f32 v62, v18;
	v17 =	vmul.f32 v17, v22  }
0xa9: {  	v41 =	vld [tilespmem:s28+$0x1C20];
	v16 =	vadd.f32 v63, v61;
	v53 =	vshra.s32 v15, $0x1;
	v15 =	vmul.f32 $5.000000000e-01, v15  }
0xaa: {  	v31 =	vld [tilespmem:s28+$0x1C30];
	v48 =	vadd.f32 v32, v30;
	v17 =	vsub.f32 $1.500000000e+00, v17;
	v24 =	vsub.s32 $0x5F3759DF, v53  }
0xab: {  	v47 =	vld.idx.msk [tilespmem:v20+s30+$0x30 ss:$0x1], $0xffff;
	v52 =	vadd.f32 v50, v49;
	v16 =	vadd.f32 v51, v16;
	v58 =	vmul.f32 v24, v15  }
0xac: {  	v49 =	vld.idx.msk [tilespmem:v20+s30+$0x50 ss:$0x1], $0xffff;
	v18 =	vadd.f32 v48, v18;
	v17 =	vmul.f32 v17, v22;
	v22 =	vsub.f32 $0.0e+00, v27  }
0xad: {  	v62 =	vld [tilespmem:$0x1FFD0];
	v56 =	vperm.xlane v16, v42;
	v59 =	vmul.f32 v24, v58  }
0xae: {  	v32 =	vld.idx.msk [tilespmem:v20+s30+$0x20 ss:$0x1], $0xffff;
	v18 =	vadd.f32 v52, v18;
	v46 =	vmul.f32 v17, v22;
	v21 =	vmul.f32 v17, v21  }
0xaf: {  	v27 =	vld [tilespmem:s28+$0x1C40];
	v13 =	vmul.f32 v17, v3;
	v12 =	vmul.f32 v17, v2;
	v16 =	vadd.f32 v16, v56  }
0xb0: {  	v9 =	vmul.f32 v17, v9;
	v57 =	vperm.xlane v18, v42;
	v0 =	vsub.f32 $1.500000000e+00, v59;
	v59 =	vld [tilespmem:$0x1FFE0]  }
0xb1: {  	v30 =	vld [tilespmem:s28+$0x1C00];
	v7 =	vmul.f32 v17, v7;
	v61 =	vperm.xlane v16, v60  }
0xb2: {  	v53 =	vld [tilespmem:$0x1FFF0];
	v8 =	vmul.f32 v17, v8;
	v18 =	vadd.f32 v18, v57;
	v48 =	vmul.f32 v24, v0  }
0xb3: {  	v5 =	vmul.f32 v17, v5;
	v40 =	vadd.f32 v46, v13;
	v60 =	vld [tilespmem:$0x1FFE0];
	v16 =	vadd.f32 v16, v61  }
0xb4: {  	v51 =	vld [tilespmem:s28+$0x1C50];
	v26 =	vadd.f32 v27, v45;
	v63 =	vperm.xlane v18, v62;
	v50 =	vmul.f32 v48, v15  }
0xb5: {  	v52 =	vld.idx.msk [tilespmem:v20+s30+$0x60 ss:$0x1], $0xffff;
	v57 =	vadd.f32 v46, v12;
	v24 =	vadd.f32 v41, v32;
	v22 =	vperm.xlane v16, v59  }
0xb6: {  	v56 =	vld [tilespmem:$0x1FFF0];
	v62 =	vadd.f32 v46, v21;
	v18 =	vadd.f32 v18, v63;
	v21 =	vmul.f32 v50, v48  }
0xb7: {  	s29 =	sor.u32 $0x4, s24;
	v45 =	vmul.f32 v26, v26;
	v63 =	vld [tilespmem:s28+$0x1C60];
	v16 =	vadd.f32 v16, v22;
	v22 =	vadd.f32 v30, v29  }
0xb8: {  	s4 =	sadd.s32 s23, s29;
	v58 =	vld.idx.msk [tilespmem:v20+s30+$0x70 ss:$0x1], $0xffff;
	v61 =	vperm.xlane v18, v60;
	v12 =	vsub.f32 $1.500000000e+00, v21;
	v30 =	vadd.f32 v31, v47  }
0xb9: {  	s25 =	sshll.u32 s4, $0x9;
	v21 =	vld [tilespmem:s28+$0x1C70];
	v29 =	vadd.f32 v51, v49;
	v13 =	vperm.xlane v16, v53;
	v59 =	vmul.f32 v22, v22  }
0xba: {  	p0 =	slt.u32 s4, $0xC8;
	s3 =	sadd.s32 $0xFFFE7000, s25;
	v43 =	vld [tilespmem:s28+$0x1C10];
	[tilespmem:$0x1F880] =	vst v62;
	v18 =	vadd.f32 v18, v61;
	v61 =	vmul.f32 v24, v24;
	v62 =	vmul.f32 v30, v30  }
0xbb: {  	s3 =	smov.u32 @p0 s25;
	v38 =	vadd.f32 v30, v24;
	v0 =	vmul.f32 v29, v29;
	v12 =	vmul.f32 v12, v48  }
0xbc: {  	s12 =	sshra.s32 s3, $0x2;
	v27 =	vadd.f32 v63, v52;
	v63 =	vadd.f32 v29, v26;
	v53 =	vperm.xlane v18, v56  }
0xbd: {  	s2 =	sshll.u32 s29, $0x7;
	v19 =	vld [tilespmem:s12+$0x1C70];
	v13 =	vadd.f32 v13, v16;
	v48 =	vadd.f32 v0, v45;
	v15 =	vmul.f32 v12, v15  }
0xbe: {  	s26 =	sand.u32 $0x3FFFFF80, s2;
	v41 =	vld [tilespmem:$0x1FFD0];
	v52 =	vadd.f32 v21, v58;
	v50 =	vmul.f32 v27, v27;
	v16 =	vadd.f32 v53, v18  }
0xbf: {  	v47 =	vld.idx.msk [tilespmem:v20+s26+$0x0 ss:$0x1], $0xffff;
	v53 =	vadd.f32 v43, v39;
	v18 =	vmul.f32 v17, v11;
	v11 =	vmul.f32 $7.812500000e-03, v13  }
0xc0: {  	v49 =	vld.idx.msk [tilespmem:v20+s26+$0x20 ss:$0x1], $0xffff;
	v39 =	vadd.f32 v62, v61;
	v15 =	vmul.f32 v15, v12;
	v3 =	vmul.f32 v52, v52  }
0xc1: {  	v45 =	vld.idx.msk [tilespmem:v20+s26+$0x10 ss:$0x1], $0xffff;
	v2 =	vadd.f32 v52, v27;
	v21 =	vadd.f32 v53, v22;
	v60 =	vmul.f32 v53, v53  }
0xc2: {  	v17 =	vld [tilespmem:s12+$0x1C50];
	v16 =	vmul.f32 $7.812500000e-03, v16;
	v15 =	vsub.f32 $1.500000000e+00, v15;
	v56 =	vadd.f32 v3, v50  }
0xc3: {  	v50 =	vld.idx.msk [tilespmem:v20+s26+$0x30 ss:$0x1], $0xffff;
	v32 =	vadd.f32 v60, v59;
	v59 =	vadd.f32 v46, v18;
	v18 =	vmul.f32 v11, v11  }
0xc4: {  	[tilespmem:$0x1F8A0] =	vst v57;
	v57 =	vadd.f32 v2, v63;
	v63 =	vld [tilespmem:$0x1FFD0];
	v13 =	vadd.f32 v38, v21  }
0xc5: {  	v58 =	vadd.f32 v56, v48;
	v61 =	vsub.f32 v16, v18;
	v18 =	vld [tilespmem:s12+$0x1C20]  }
0xc6: {  	v56 =	vadd.f32 v46, v7;
	v32 =	vadd.f32 v39, v32;
	v16 =	vmul.f32 v15, v12;
	v15 =	vld.idx.msk [tilespmem:v20+s26+$0x40 ss:$0x1], $0xffff  }
0xc7: {  	[tilespmem:$0x1F8B0] =	vst v59;
	v13 =	vadd.f32 v57, v13;
	v59 =	vld [tilespmem:s12+$0x1C40]  }
0xc8: {  	v14 =	vsub.f32 $0.0e+00, v14;
	[tilespmem:$0x1F8E0] =	vst v56;
	v56 =	vld [tilespmem:$0x1FFE0];
	v32 =	vadd.f32 v58, v32  }
0xc9: {  	v60 =	vadd.f32 v46, v9;
	v38 =	vperm.xlane v13, v42;
	v9 =	vadd.f32 $9.999999740e-06, v61;
	v58 =	vld [tilespmem:s12+$0x1C30]  }
0xca: {  	v61 =	vld.idx.msk [tilespmem:v20+s26+$0x50 ss:$0x1], $0xffff;
	v39 =	vperm.xlane v32, v42  }
0xcb: {  	v14 =	vmul.f32 v16, v14;
	v12 =	vadd.f32 v13, v38;
	v62 =	vshra.s32 v9, $0x1;
	v38 =	vld [tilespmem:s12+$0x1C60]  }
0xcc: {  	v9 =	vmul.f32 $5.000000000e-01, v9;
	v13 =	vadd.f32 v32, v39;
	v32 =	vsub.s32 $0x5F3759DF, v62;
	v62 =	vld.idx.msk [tilespmem:v20+s26+$0x60 ss:$0x1], $0xffff  }
0xcd: {  	v8 =	vadd.f32 v46, v8;
	v6 =	vmul.f32 v16, v6;
	v31 =	vperm.xlane v12, v63;
	v63 =	vld.idx.msk [tilespmem:v20+s26+$0x70 ss:$0x1], $0xffff  }
0xce: {  	v57 =	vmul.f32 v32, v9;
	v51 =	vperm.xlane v13, v41;
	v41 =	vadd.f32 v46, v5;
	v46 =	vld [tilespmem:$0x1FFE0]  }
0xcf: {  	[tilespmem:$0x1F890] =	vst v40;
	v43 =	vld [tilespmem:s12+$0x1C00];
	v21 =	vadd.f32 v58, v50;
	v12 =	vadd.f32 v12, v31;
	v31 =	vmul.f32 v16, v10  }
0xd0: {  	[tilespmem:$0x1F8F0] =	vst v8;
	v48 =	vld [tilespmem:s12+$0x1C10];
	v8 =	vadd.f32 v18, v49;
	v7 =	vmul.f32 v32, v57;
	v13 =	vadd.f32 v13, v51  }
0xd1: {  	[tilespmem:$0x1F8C0] =	vst v60;
	v61 =	vadd.f32 v17, v61;
	v40 =	vmul.f32 v21, v21;
	v60 =	vadd.f32 v14, v31  }
0xd2: {  	[tilespmem:$0x1F900] =	vst v41;
	v41 =	vadd.f32 v59, v15;
	v7 =	vsub.f32 $1.500000000e+00, v7;
	v57 =	vperm.xlane v13, v56  }
0xd3: {  	s25 =	sor.u32 $0x5, s24;
	v62 =	vadd.f32 v38, v62;
	v5 =	vadd.f32 v19, v63;
	v51 =	vperm.xlane v12, v46  }
0xd4: {  	s2 =	sshll.u32 s25, $0x7;
	v38 =	vmul.f32 v61, v61;
	v46 =	vadd.f32 v13, v57;
	v13 =	vadd.f32 v43, v47  }
0xd5: {  	s29 =	sadd.s32 s23, s25;
	s25 =	sand.u32 $0x3FFFFF80, s2;
	[tilespmem:$0x1F910] =	vst v60;
	v31 =	vmul.f32 v41, v41;
	v60 =	vadd.f32 v12, v51;
	v12 =	vadd.f32 v48, v45  }
0xd6: {  	s28 =	sshll.u32 s29, $0x9;
	v0 =	vld.idx.msk [tilespmem:v20+s25+$0x0 ss:$0x1], $0xffff;
	v19 =	vadd.f32 v21, v8;
	v63 =	vmul.f32 v5, v5;
	v43 =	vmul.f32 v8, v8  }
0xd7: {  	p0 =	slt.u32 s29, $0xC8;
	s3 =	sadd.s32 $0xFFFE7000, s28;
	v49 =	vld.idx.msk [tilespmem:v20+s25+$0x10 ss:$0x1], $0xffff;
	v39 =	vadd.f32 v5, v62;
	v15 =	vmul.f32 v13, v13;
	v17 =	vmul.f32 v12, v12  }
0xd8: {  	s3 =	smov.u32 @p0 s28;
	[tilespmem:$0x1F8D0] =	vst v5;
	v7 =	vmul.f32 v32, v7;
	v5 =	vld [tilespmem:$0x1FFF0];
	v47 =	vadd.f32 v61, v41;
	v58 =	vadd.f32 v38, v31  }
0xd9: {  	s4 =	sshra.s32 s3, $0x2;
	v50 =	vld.idx.msk [tilespmem:v20+s25+$0x30 ss:$0x1], $0xffff;
	v51 =	vmul.f32 v62, v62;
	v57 =	vadd.f32 v40, v43;
	v15 =	vadd.f32 v17, v15  }
0xda: {  	v4 =	vmul.f32 v16, v4;
	v38 =	vadd.f32 v14, v6;
	v45 =	vld [tilespmem:s4+$0x1C00];
	v10 =	vadd.f32 v12, v13  }
0xdb: {  	v59 =	vadd.f32 v63, v51;
	v63 =	vmul.f32 v7, v9;
	v15 =	vadd.f32 v57, v15;
	v57 =	vld [tilespmem:$0x1FFF0]  }
0xdc: {  	v48 =	vld.idx.msk [tilespmem:v20+s25+$0x40 ss:$0x1], $0xffff;
	v10 =	vadd.f32 v19, v10;
	v19 =	vadd.f32 v39, v47  }
0xdd: {  	v51 =	vadd.f32 v14, v4;
	v31 =	vperm.xlane v60, v5;
	v47 =	vld [tilespmem:s4+$0x1C10];
	v39 =	vmul.f32 v63, v7  }
0xde: {  	v25 =	vmul.f32 v16, v25;
	v32 =	vadd.f32 v59, v58;
	v63 =	vld [tilespmem:s4+$0x1C30];
	v10 =	vadd.f32 v19, v10  }
0xdf: {  	v4 =	vmul.f32 v16, v36;
	v59 =	vld.idx.msk [tilespmem:v20+s25+$0x20 ss:$0x1], $0xffff;
	v56 =	vadd.f32 v31, v60;
	v6 =	vsub.f32 $1.500000000e+00, v39  }
0xe0: {  	v19 =	vld [tilespmem:s4+$0x1C20];
	v17 =	vadd.f32 v32, v15;
	v2 =	vperm.xlane v10, v42;
	v58 =	vperm.xlane v46, v57  }
0xe1: {  	[tilespmem:$0x1F930] =	vst v51;
	v51 =	vld [tilespmem:$0x1FFD0];
	v15 =	vmul.f32 $7.812500000e-03, v56;
	v56 =	vmul.f32 v16, v35;
	v32 =	vadd.f32 v14, v4  }
0xe2: {  	v6 =	vmul.f32 v6, v7;
	v4 =	vsub.f32 $0.0e+00, v11;
	v46 =	vadd.f32 v58, v46;
	v58 =	vld [tilespmem:$0x1FFD0]  }
0xe3: {  	v60 =	vld [tilespmem:s4+$0x1C40];
	v18 =	vadd.f32 v63, v50;
	v3 =	vperm.xlane v17, v42;
	v7 =	vadd.f32 v10, v2  }
0xe4: {  	v35 =	vld [tilespmem:s4+$0x1C50];
	v40 =	vmul.f32 v15, v15;
	v9 =	vmul.f32 v6, v9;
	v10 =	vadd.f32 v47, v49  }
0xe5: {  	[tilespmem:$0x1F920] =	vst v38;
	v49 =	vmul.f32 v16, v55;
	v57 =	vld.idx.msk [tilespmem:v20+s25+$0x50 ss:$0x1], $0xffff;
	v11 =	vadd.f32 v19, v59;
	v31 =	vmul.f32 $7.812500000e-03, v46  }
0xe6: {  	v39 =	vld.idx.msk [tilespmem:v20+s25+$0x70 ss:$0x1], $0xffff;
	v17 =	vadd.f32 v17, v3;
	v38 =	vmul.f32 v9, v6;
	v9 =	vadd.f32 v45, v0  }
0xe7: {  	v19 =	vmul.f32 v10, v10;
	v46 =	vsub.f32 v31, v40;
	v40 =	vld.idx.msk [tilespmem:v20+s25+$0x60 ss:$0x1], $0xffff;
	v5 =	vperm.xlane v7, v58  }
0xe8: {  	[tilespmem:$0x1F950] =	vst v32;
	v32 =	vmul.f32 v11, v11;
	v45 =	vsub.f32 $1.500000000e+00, v38;
	v31 =	vadd.f32 v14, v56;
	v56 =	vld [tilespmem:s4+$0x1C70]  }
0xe9: {  	v50 =	vadd.f32 v18, v11;
	v0 =	vmul.f32 v9, v9;
	v36 =	vadd.f32 v7, v5;
	v7 =	vld [tilespmem:s4+$0x1C60]  }
0xea: {  	v2 =	vadd.f32 v10, v9;
	v43 =	vadd.f32 v35, v57;
	v6 =	vmul.f32 v45, v6  }
0xeb: {  	v35 =	vmul.f32 v18, v18;
	v58 =	vperm.xlane v17, v51;
	v51 =	vadd.f32 v14, v25  }
0xec: {  	v38 =	vmul.f32 v43, v43;
	v4 =	vmul.f32 v6, v4;
	v25 =	vadd.f32 v50, v2  }
0xed: {  	v23 =	vmul.f32 v6, v23;
	[tilespmem:$0x1F940] =	vst v31;
	v31 =	vadd.f32 v60, v48;
	v59 =	vadd.f32 v56, v39  }
0xee: {  	s12 =	sor.u32 $0x6, s24;
	v57 =	vld [tilespmem:$0x1FFE0];
	v37 =	vmul.f32 v6, v37;
	v17 =	vadd.f32 v17, v58;
	v63 =	vadd.f32 v7, v40  }
0xef: {  	s28 =	sadd.s32 s23, s12;
	s2 =	sshll.u32 s12, $0x7;
	[tilespmem:$0x1F960] =	vst v51;
	v51 =	vadd.f32 v43, v31;
	v48 =	vmul.f32 v59, v59;
	v7 =	vadd.f32 v19, v0  }
0xf0: {  	s29 =	sshll.u32 s28, $0x9;
	p0 =	slt.u32 s28, $0xC8;
	s28 =	sand.u32 $0x3FFFFF80, s2;
	v19 =	vmul.f32 v31, v31;
	v40 =	vadd.f32 v35, v32;
	v35 =	vld [tilespmem:$0x1FFE0];
	v39 =	vmul.f32 v63, v63  }
0xf1: {  	v47 =	vld.idx.msk [tilespmem:v20+s28+$0x0 ss:$0x1], $0xffff;
	v33 =	vmul.f32 v6, v33;
	v56 =	vadd.f32 $9.999999740e-06, v46;
	v55 =	vadd.f32 v59, v63  }
0xf2: {  	v60 =	vmul.f32 v16, v54;
	v58 =	vmovc v42;
	v19 =	vadd.f32 v38, v19;
	v42 =	vadd.f32 v48, v39  }
0xf3: {  	v3 =	vperm.xlane v36, v57;
	v32 =	vshra.s32 v56, $0x1;
	v45 =	vadd.f32 v55, v51;
	v48 =	vld [tilespmem:$0x1FFF0]  }
0xf4: {  	s3 =	sadd.s32 $0xFFFE7000, s29;
	v7 =	vadd.f32 v40, v7;
	v19 =	vadd.f32 v42, v19;
	v42 =	vmul.f32 $5.000000000e-01, v56;
	v56 =	vld [tilespmem:$0x1FFF0]  }
0xf5: {  	s3 =	smov.u32 @p0 s29;
	v36 =	vadd.f32 v36, v3;
	v0 =	vld.idx.msk [tilespmem:v20+s28+$0x30 ss:$0x1], $0xffff;
	v38 =	vperm.xlane v17, v35;
	v25 =	vadd.f32 v45, v25  }
0xf6: {  	s4 =	sshra.s32 s3, $0x2;
	v40 =	vmul.f32 v6, v44;
	v7 =	vadd.f32 v19, v7;
	v19 =	vsub.s32 $0x5F3759DF, v32;
	v32 =	vld [tilespmem:$0x1FFD0]  }
0xf7: {  	v44 =	vld [tilespmem:s4+$0x1C10];
	v17 =	vadd.f32 v17, v38;
	v39 =	vperm.xlane v25, v58;
	v54 =	vmul.f32 v19, v42  }
0xf8: {  	v38 =	vld [tilespmem:$0x1FFE0];
	v50 =	vperm.xlane v36, v48;
	v51 =	vperm.xlane v7, v58  }
0xf9: {  	v25 =	vadd.f32 v25, v39;
	v57 =	vperm.xlane v17, v56;
	v5 =	vmul.f32 v19, v54;
	v54 =	vld [tilespmem:$0x1FFD0]  }
0xfa: {  	v28 =	vmul.f32 v6, v28;
	v55 =	vadd.f32 v50, v36;
	v36 =	vadd.f32 v14, v49;
	v49 =	vld [tilespmem:s4+$0x1C00]  }
0xfb: {  	v50 =	vld [tilespmem:$0x1F870];
	v7 =	vadd.f32 v7, v51;
	v35 =	vperm.xlane v25, v32;
	v17 =	vadd.f32 v57, v17  }
0xfc: {  	v16 =	vmul.f32 $7.812500000e-03, v55;
	v45 =	vsub.f32 $1.500000000e+00, v5;
	v57 =	vld.idx.msk [tilespmem:v20+s28+$0x10 ss:$0x1], $0xffff;
	v32 =	vadd.f32 v14, v60  }
0xfd: {  	v60 =	vmul.f32 v6, v34;
	v25 =	vadd.f32 v25, v35;
	v17 =	vmul.f32 $7.812500000e-03, v17;
	v35 =	vld [tilespmem:$0x1FFE0]  }
0xfe: {  	v40 =	vadd.f32 v4, v40;
	v34 =	vld [tilespmem:s4+$0x1C20];
	v56 =	vmul.f32 v16, v16;
	v14 =	vmul.f32 v19, v45  }
0xff: {  	v51 =	vadd.f32 v4, v37;
	v45 =	vld.idx.msk [tilespmem:v20+s28+$0x20 ss:$0x1], $0xffff;
	v5 =	vadd.f32 v4, v60;
	v55 =	vperm.xlane v7, v54  }
0x100: {  	[tilespmem:$0x1F970] =	vst v32;
	v32 =	vld [tilespmem:$0x1FFF0];
	v46 =	vsub.f32 v17, v56;
	v48 =	vmul.f32 v14, v42;
	v56 =	vadd.f32 v4, v23  }
0x101: {  	[tilespmem:$0x1F990] =	vst v5;
	v5 =	vadd.f32 v4, v28;
	v7 =	vadd.f32 v7, v55;
	v55 =	vld [tilespmem:s4+$0x1C30]  }
0x102: {  	v60 =	vld [tilespmem:s4+$0x1C50];
	v17 =	vmul.f32 v48, v14;
	v48 =	vadd.f32 v4, v33;
	v19 =	vperm.xlane v25, v35  }
0x103: {  	v15 =	vsub.f32 $0.0e+00, v15;
	v33 =	vld.idx.msk [tilespmem:v20+s28+$0x50 ss:$0x1], $0xffff;
	[tilespmem:$0x1F9C0] =	vst v5;
	v5 =	vadd.f32 v44, v57;
	v39 =	vperm.xlane v7, v38  }
0x104: {  	v19 =	vadd.f32 v25, v19;
	v25 =	vmul.f32 v6, v1;
	v6 =	vmul.f32 v6, v50;
	v50 =	vld [tilespmem:$0x1FFF0]  }
0x105: {  	v54 =	vld [tilespmem:s4+$0x1C40];
	v44 =	vadd.f32 v34, v45;
	v17 =	vsub.f32 $1.500000000e+00, v17  }
0x106: {  	v57 =	vld.idx.msk [tilespmem:v20+s28+$0x70 ss:$0x1], $0xffff;
	v38 =	vmul.f32 v5, v5;
	v7 =	vadd.f32 v7, v39;
	v45 =	vadd.f32 v55, v0  }
0x107: {  	v34 =	vld [tilespmem:s4+$0x1C70];
	[tilespmem:$0x1F9B0] =	vst v48;
	v39 =	vadd.f32 v4, v25;
	v48 =	vadd.f32 v4, v6;
	v25 =	vmul.f32 v17, v14  }
0x108: {  	v1 =	vld.idx.msk [tilespmem:v20+s28+$0x40 ss:$0x1], $0xffff;
	v35 =	vperm.xlane v7, v32;
	v14 =	vadd.f32 $9.999999740e-06, v46;
	v46 =	vadd.f32 v49, v47  }
0x109: {  	[tilespmem:$0x1F980] =	vst v51;
	v3 =	vadd.f32 v60, v33;
	v28 =	vmul.f32 v25, v42;
	v51 =	vperm.xlane v19, v50  }
0x10a: {  	s12 =	sor.u32 $0x7, s24;
	v7 =	vadd.f32 v35, v7;
	v35 =	vshra.s32 v14, $0x1;
	v42 =	vmul.f32 $5.000000000e-01, v14  }
0x10b: {  	s29 =	sadd.s32 s23, s12;
	[tilespmem:$0x1F9A0] =	vst v39;
	v0 =	vsub.s32 $0x5F3759DF, v35;
	v39 =	vmul.f32 v28, v25;
	v50 =	vadd.f32 v51, v19;
	v51 =	vld.idx.msk [tilespmem:v20+s28+$0x60 ss:$0x1], $0xffff  }
0x10c: {  	v2 =	vadd.f32 v34, v57;
	v17 =	vmul.f32 v46, v46;
	v47 =	vmul.f32 v0, v42;
	v19 =	vld [tilespmem:s4+$0x1C60];
	s4 =	sshll.u32 s29, $0x9  }
0x10d: {  	s2 =	sshll.u32 s12, $0x7;
	p0 =	slt.u32 s29, $0xC8;
	v37 =	vadd.f32 v54, v1;
	v7 =	vmul.f32 $7.812500000e-03, v7;
	v1 =	vsub.f32 $1.500000000e+00, v39;
	s3 =	sadd.s32 $0xFFFE7000, s4  }
0x10e: {  	v32 =	vld [tilespmem:$0x1F880];
	[tilespmem:$0x1F9D0] =	vst v48;
	v33 =	vadd.f32 v38, v17;
	v17 =	vmul.f32 v2, v2;
	s29 =	sand.u32 $0x3FFFFF80, s2;
	v48 =	vmul.f32 v0, v47;
	s3 =	smov.u32 @p0 s4  }
0x10f: {  	v60 =	vadd.f32 v3, v37;
	v39 =	vmul.f32 v44, v44;
	v54 =	vld.idx.msk [tilespmem:v20+s29+$0x0 ss:$0x1], $0xffff;
	v1 =	vmul.f32 v1, v25;
	s4 =	sshra.s32 s3, $0x2  }
0x110: {  	v47 =	vmul.f32 v45, v45;
	v14 =	vmul.f32 $7.812500000e-03, v50;
	v50 =	vadd.f32 v5, v46;
	v55 =	vld [tilespmem:s4+$0x1C10]  }
0x111: {  	[tilespmem:$0x1F9F0] =	vst v5;
	v5 =	vld [tilespmem:s4+$0x1C20];
	v19 =	vadd.f32 v19, v51;
	v34 =	vmul.f32 v1, v15;
	v30 =	vmul.f32 v1, v30  }
0x112: {  	v4 =	vsub.f32 $1.500000000e+00, v48;
	v28 =	vld [tilespmem:s4+$0x1C30];
	v51 =	vadd.f32 v45, v44;
	v26 =	vmul.f32 v1, v26  }
0x113: {  	[tilespmem:$0x1FA00] =	vst v3;
	v49 =	vmul.f32 v14, v14;
	v6 =	vadd.f32 v2, v19;
	v35 =	vadd.f32 v34, v30;
	v30 =	vld [tilespmem:s4+$0x1C40]  }
0x114: {  	v0 =	vmul.f32 v0, v4;
	v57 =	vadd.f32 v51, v50;
	v38 =	vadd.f32 v34, v26;
	v26 =	vld.idx.msk [tilespmem:v20+s29+$0x50 ss:$0x1], $0xffff  }
0x115: {  	v50 =	vmul.f32 v37, v37;
	v51 =	vmul.f32 v3, v3;
	v4 =	vadd.f32 v6, v60;
	v6 =	vld.idx.msk [tilespmem:v20+s29+$0x10 ss:$0x1], $0xffff  }
0x116: {  	v15 =	vmul.f32 v1, v22;
	v22 =	vadd.f32 v47, v39;
	v3 =	vmul.f32 v19, v19;
	v60 =	vld.idx.msk [tilespmem:v20+s29+$0x20 ss:$0x1], $0xffff  }
0x117: {  	v25 =	vsub.f32 v7, v49;
	v49 =	vmul.f32 v0, v42;
	v7 =	vadd.f32 v51, v50;
	v51 =	vld [tilespmem:$0x1FF70]  }
0x118: {  	v27 =	vmul.f32 v1, v27;
	v22 =	vadd.f32 v22, v33;
	v33 =	vadd.f32 v17, v3;
	v3 =	vld [tilespmem:s4+$0x1C50]  }
0x119: {  	v48 =	vmul.f32 v1, v53;
	v53 =	vmul.f32 v49, v0;
	[tilespmem:$0x1F9E0] =	vst v35;
	v35 =	vld [tilespmem:$0x1FF50]  }
0x11a: {  	v24 =	vmul.f32 v1, v24;
	v49 =	vadd.f32 v34, v27;
	v17 =	vld [tilespmem:$0x1F8A0]  }
0x11b: {  	[tilespmem:$0x1FA10] =	vst v2;
	v29 =	vmul.f32 v1, v29;
	v4 =	vadd.f32 v4, v57;
	v57 =	vld [tilespmem:s4+$0x1C00];
	v53 =	vsub.f32 $1.500000000e+00, v53  }
0x11c: {  	[tilespmem:$0x1FA20] =	vst v38;
	v33 =	vadd.f32 v33, v7;
	v7 =	vadd.f32 v34, v15;
	v15 =	vld.idx.msk [tilespmem:v20+s29+$0x30 ss:$0x1], $0xffff  }
0x11d: {  	v23 =	vadd.f32 v34, v48;
	v47 =	vadd.f32 v34, v29;
	[tilespmem:$0x1FA40] =	vst v49;
	v49 =	vld [tilespmem:$0x1F890];
	v0 =	vmul.f32 v53, v0  }
0x11e: {  	v53 =	vadd.f32 v34, v24;
	v24 =	vld.idx.msk [tilespmem:v20+s29+$0x40 ss:$0x1], $0xffff;
	v38 =	vperm.xlane v4, v58;
	v2 =	vmul.f32 v32, v51  }
0x11f: {  	v25 =	vadd.f32 $9.999999740e-06, v25;
	v22 =	vadd.f32 v33, v22;
	v33 =	vld.idx.msk [tilespmem:v20+s29+$0x60 ss:$0x1], $0xffff  }
0x120: {  	v52 =	vmul.f32 v1, v52;
	[tilespmem:$0x1FA30] =	vst v47;
	v4 =	vadd.f32 v4, v38;
	v38 =	vld [tilespmem:$0x1FF80];
	v47 =	vadd.f32 v2, v35  }
0x121: {  	v39 =	vshra.s32 v25, $0x1;
	v25 =	vmul.f32 $5.000000000e-01, v25;
	v32 =	vadd.f32 v55, v6;
	v6 =	vld [tilespmem:s4+$0x1C70]  }
0x122: {  	v48 =	vmul.f32 v0, v42;
	v42 =	vsub.s32 $0x5F3759DF, v39;
	v39 =	vadd.f32 v34, v52;
	[tilespmem:v20+s1+$0x0 ss:$0x1] =	vst.idx.msk $0xffff, v47;
	v47 =	vld [tilespmem:$0x1FF60]  }
0x123: {  	v34 =	vld [tilespmem:s4+$0x1C60];
	v50 =	vmul.f32 v42, v25  }
0x124: {  	v52 =	vld [tilespmem:$0x1FFA0];
	v28 =	vadd.f32 v28, v15;
	[tilespmem:$0x1FA50] =	vst v39;
	v29 =	vmul.f32 v48, v0;
	v48 =	vadd.f32 v57, v54  }
0x125: {  	v57 =	vld.idx.msk [tilespmem:v20+s29+$0x70 ss:$0x1], $0xffff;
	v27 =	vmul.f32 v42, v50;
	v30 =	vadd.f32 v30, v24;
	v50 =	vmul.f32 v49, v38  }
0x126: {  	v39 =	vld [tilespmem:$0x1FF90];
	[tilespmem:$0x1FB60] =	vst v28;
	v24 =	vadd.f32 v3, v26  }
0x127: {  	v29 =	vsub.f32 $1.500000000e+00, v29;
	[tilespmem:$0x1FB70] =	vst v30;
	v2 =	vadd.f32 v50, v47;
	v50 =	vld [tilespmem:$0x1F8B0]  }
0x128: {  	v54 =	vld [tilespmem:$0x1F8C0];
	v55 =	vsub.f32 $1.500000000e+00, v27;
	[tilespmem:$0x1FB80] =	vst v24  }
0x129: {  	v27 =	vadd.f32 v5, v60;
	v49 =	vsub.f32 $0.0e+00, v16;
	v60 =	vld [tilespmem:$0x1FFB0];
	v0 =	vmul.f32 v29, v0;
	[tilespmem:v20+s1+$0x10 ss:$0x1] =	vst.idx.msk $0xffff, v2  }
0x12a: {  	v42 =	vmul.f32 v42, v55;
	v29 =	vld [tilespmem:$0x1FED0]  }
0x12b: {  	v26 =	vmul.f32 v17, v39;
	v5 =	vmul.f32 v0, v49;
	v49 =	vld [tilespmem:$0x1FEE0]  }
0x12c: {  	v17 =	vadd.f32 v34, v33;
	v12 =	vmul.f32 v0, v12;
	v15 =	vmul.f32 v50, v52;
	v50 =	vld [tilespmem:$0x1FEF0]  }
0x12d: {  	v33 =	vmul.f32 v0, v8;
	v2 =	vadd.f32 v6, v57;
	v57 =	vmul.f32 v0, v13  }
0x12e: {  	v55 =	vmul.f32 v54, v60;
	v34 =	vadd.f32 v5, v12;
	v12 =	vmul.f32 v42, v25;
	[tilespmem:$0x1FB30] =	vst v48  }
0x12f: {  	v54 =	vmul.f32 v0, v21;
	[tilespmem:$0x1FB90] =	vst v17;
	v3 =	vadd.f32 v26, v29;
	v26 =	vadd.f32 v5, v57  }
0x130: {  	[tilespmem:$0x1FA70] =	vst v34;
	v34 =	vmul.f32 v0, v62;
	v12 =	vmul.f32 v12, v42;
	v13 =	vadd.f32 v15, v49  }
0x131: {  	v57 =	vmul.f32 v0, v41;
	v15 =	vadd.f32 v55, v50;
	[tilespmem:$0x1FA60] =	vst v26;
	v55 =	vadd.f32 v5, v33  }
0x132: {  	v26 =	vmul.f32 v0, v61;
	v33 =	vadd.f32 v5, v54;
	[tilespmem:v20+s1+$0x20 ss:$0x1] =	vst.idx.msk $0xffff, v3  }
0x133: {  	v41 =	vadd.f32 v5, v57;
	v57 =	vadd.f32 v5, v34;
	[tilespmem:v20+s1+$0x30 ss:$0x1] =	vst.idx.msk $0xffff, v13  }
0x134: {  	v61 =	vsub.f32 $1.500000000e+00, v12;
	v12 =	vadd.f32 v28, v27;
	[tilespmem:$0x1FA80] =	vst v55;
	v55 =	vld [tilespmem:$0x1F8D0]  }
0x135: {  	v13 =	vadd.f32 v24, v30;
	[tilespmem:$0x1FA90] =	vst v33;
	v54 =	vadd.f32 v5, v26  }
0x136: {  	v26 =	vadd.f32 v32, v48;
	[tilespmem:v20+s1+$0x40 ss:$0x1] =	vst.idx.msk $0xffff, v15;
	v15 =	vadd.f32 v2, v17;
	v33 =	vld [tilespmem:$0x1FFD0]  }
0x137: {  	v21 =	vmul.f32 v17, v17;
	[tilespmem:$0x1FAC0] =	vst v57;
	v3 =	vmul.f32 v61, v42;
	v57 =	vld [tilespmem:$0x1F900]  }
0x138: {  	[tilespmem:$0x1FAA0] =	vst v41;
	v48 =	vmul.f32 v48, v48;
	v17 =	vld [tilespmem:$0x1FF10];
	v41 =	vadd.f32 v12, v26;
	v42 =	vadd.f32 v15, v13  }
0x139: {  	[tilespmem:$0x1FB40] =	vst v32;
	v12 =	vmul.f32 v32, v32;
	v32 =	vld [tilespmem:$0x1FF30];
	v0 =	vmul.f32 v0, v55  }
0x13a: {  	v6 =	vadd.f32 v42, v41;
	v41 =	vld [tilespmem:$0x1FFC0]  }
0x13b: {  	v0 =	vadd.f32 v5, v0;
	v5 =	vadd.f32 v12, v48;
	v12 =	vld [tilespmem:$0x1F8E0]  }
0x13c: {  	v15 =	vld [tilespmem:$0x1F8F0]  }
0x13d: {  	v48 =	vld [tilespmem:$0x1FF00]  }
0x13e: {  	[tilespmem:$0x1FB50] =	vst v27;
	v62 =	vperm.xlane v22, v58;
	v55 =	vmul.f32 v24, v24;
	v24 =	vld [tilespmem:$0x1FF40]  }
0x13f: {  	[tilespmem:$0x1FAB0] =	vst v54;
	v54 =	vmul.f32 v27, v27;
	v13 =	vmul.f32 v28, v28;
	v27 =	vld [tilespmem:$0x1FF20]  }
0x140: {  	[tilespmem:$0x1FAD0] =	vst v0;
	v0 =	vadd.f32 v22, v62;
	v62 =	vld [tilespmem:$0x1F910];
	v12 =	vmul.f32 v12, v41  }
0x141: {  	s2 =	sor.u32 $0x8, s24;
	v25 =	vmul.f32 v3, v25;
	v8 =	vadd.f32 v13, v54;
	v13 =	vmul.f32 v30, v30  }
0x142: {  	s12 =	sadd.s32 s23, s2;
	v15 =	vmul.f32 v15, v32;
	v22 =	vmul.f32 v2, v2;
	v12 =	vadd.f32 v12, v48  }
0x143: {  	s4 =	sshll.u32 s12, $0x9;
	v34 =	vperm.xlane v4, v33;
	v13 =	vadd.f32 v55, v13;
	v61 =	vmul.f32 v57, v24  }
0x144: {  	s2 =	sshll.u32 s2, $0x7;
	p0 =	slt.u32 s12, $0xC8;
	s12 =	sadd.s32 $0xFFFE7000, s4;
	v26 =	vld [tilespmem:$0x1FFE0];
	v15 =	vadd.f32 v15, v17;
	[tilespmem:v20+s1+$0x50 ss:$0x1] =	vst.idx.msk $0xffff, v12;
	v12 =	vadd.f32 v22, v21  }
0x145: {  	s3 =	sand.u32 $0x3FFFFF80, s2;
	s12 =	smov.u32 @p0 s4;
	[tilespmem:$0x1FBA0] =	vst v2;
	v5 =	vadd.f32 v8, v5;
	v8 =	vld [tilespmem:$0x1FFD0];
	v16 =	vadd.f32 v61, v27;
	v21 =	vmul.f32 v62, v51  }
0x146: {  	s4 =	sshra.s32 s12, $0x2;
	v22 =	vmul.f32 v25, v3;
	[tilespmem:v20+s1+$0x60 ss:$0x1] =	vst.idx.msk $0xffff, v15;
	v2 =	vadd.f32 v12, v13;
	v12 =	vld.idx.msk [tilespmem:v20+s3+$0x0 ss:$0x1], $0xffff  }
0x147: {  	v4 =	vadd.f32 v4, v34;
	[tilespmem:v20+s1+$0x70 ss:$0x1] =	vst.idx.msk $0xffff, v16;
	v16 =	vld [tilespmem:s4+$0x1C00]  }
0x148: {  	v13 =	vadd.f32 v21, v35;
	v15 =	vsub.f32 $1.500000000e+00, v22;
	v22 =	vld.idx.msk [tilespmem:v20+s3+$0x10 ss:$0x1], $0xffff  }
0x149: {  	v21 =	vperm.xlane v4, v26;
	v26 =	vld [tilespmem:$0x1F920]  }
0x14a: {  	[tilespmem:v20+s5+$0x0 ss:$0x1] =	vst.idx.msk $0xffff, v13;
	v3 =	vmul.f32 v15, v3;
	v13 =	vsub.f32 $0.0e+00, v14;
	v14 =	vperm.xlane v6, v58;
	v15 =	vld [tilespmem:s4+$0x1C10]  }
0x14b: {  	v4 =	vadd.f32 v4, v21;
	v21 =	vld.idx.msk [tilespmem:v20+s3+$0x20 ss:$0x1], $0xffff  }
0x14c: {  	v6 =	vadd.f32 v6, v14;
	v14 =	vld [tilespmem:s4+$0x1C20]  }
0x14d: {  	v30 =	vmul.f32 v3, v10;
	v10 =	vld.idx.msk [tilespmem:v20+s3+$0x30 ss:$0x1], $0xffff  }
0x14e: {  	v42 =	vmul.f32 v3, v18;
	v18 =	vld [tilespmem:s4+$0x1C30]  }
0x14f: {  	v25 =	vperm.xlane v0, v8;
	v57 =	vmul.f32 v3, v63;
	v63 =	vld [tilespmem:$0x1FFE0]  }
0x150: {  	v13 =	vmul.f32 v3, v13;
	v54 =	vmul.f32 v3, v31;
	v31 =	vld.idx.msk [tilespmem:v20+s3+$0x50 ss:$0x1], $0xffff  }
0x151: {  	v5 =	vadd.f32 v2, v5;
	v9 =	vmul.f32 v3, v9;
	v33 =	vmul.f32 v3, v11;
	v11 =	vld.idx.msk [tilespmem:v20+s3+$0x60 ss:$0x1], $0xffff  }
0x152: {  	v8 =	vadd.f32 v0, v25;
	v0 =	vadd.f32 v13, v30;
	v30 =	vld.idx.msk [tilespmem:v20+s3+$0x40 ss:$0x1], $0xffff  }
0x153: {  	v28 =	vperm.xlane v5, v58;
	v34 =	vadd.f32 v13, v9;
	v9 =	vld [tilespmem:s4+$0x1C40]  }
0x154: {  	v55 =	vmul.f32 v3, v43;
	v3 =	vmul.f32 v3, v59;
	v59 =	vadd.f32 v13, v42;
	v42 =	vld [tilespmem:$0x1FFF0]  }
0x155: {  	v62 =	vadd.f32 v13, v54;
	v54 =	vld [tilespmem:$0x1FFD0];
	[tilespmem:$0x1FAE0] =	vst v34  }
0x156: {  	v25 =	vadd.f32 v5, v28;
	v28 =	vld [tilespmem:$0x1F930];
	[tilespmem:$0x1FAF0] =	vst v0  }
0x157: {  	v61 =	vadd.f32 v13, v33;
	[tilespmem:$0x1FB10] =	vst v62;
	v62 =	vadd.f32 v13, v57;
	v57 =	vld [tilespmem:$0x1FFD0]  }
0x158: {  	[tilespmem:$0x1FB00] =	vst v59;
	v0 =	vadd.f32 v13, v55;
	v34 =	vld [tilespmem:s4+$0x1C50];
	v59 =	vadd.f32 v13, v3;
	v13 =	vmul.f32 v26, v38  }
0x159: {  	v26 =	vld [tilespmem:s4+$0x1C60];
	v5 =	vperm.xlane v8, v63;
	v43 =	vperm.xlane v4, v42  }
0x15a: {  	v18 =	vadd.f32 v18, v10;
	v13 =	vadd.f32 v13, v47;
	v55 =	vperm.xlane v6, v54;
	v42 =	vld [tilespmem:$0x1F940]  }
0x15b: {  	v3 =	vadd.f32 v8, v5;
	v54 =	vld [tilespmem:$0x1F950];
	v4 =	vadd.f32 v43, v4  }
0x15c: {  	v63 =	vperm.xlane v25, v57;
	v6 =	vadd.f32 v6, v55;
	v57 =	vadd.f32 v16, v12  }
0x15d: {  	v33 =	vld.idx.msk [tilespmem:v20+s3+$0x70 ss:$0x1], $0xffff;
	v12 =	vmul.f32 v28, v39;
	v43 =	vadd.f32 v14, v21;
	v21 =	vadd.f32 v34, v31  }
0x15e: {  	v8 =	vadd.f32 v25, v63;
	v25 =	vadd.f32 v15, v22;
	v22 =	vld [tilespmem:s4+$0x1C70]  }
0x15f: {  	[tilespmem:v20+s5+$0x10 ss:$0x1] =	vst.idx.msk $0xffff, v13;
	v34 =	vld [tilespmem:$0x1F960];
	v12 =	vadd.f32 v12, v29;
	v63 =	vadd.f32 v9, v30  }
0x160: {  	[tilespmem:$0x1FBD0] =	vst v18;
	v30 =	vadd.f32 v26, v11;
	v15 =	vmul.f32 v42, v52;
	v14 =	vmul.f32 v54, v60  }
0x161: {  	[tilespmem:$0x1FBC0] =	vst v43;
	v42 =	vadd.f32 v18, v43;
	v43 =	vmul.f32 v43, v43;
	v54 =	vmul.f32 v18, v18  }
0x162: {  	v5 =	vld [tilespmem:$0x1FFF0];
	v18 =	vmul.f32 v21, v21;
	[tilespmem:v20+s5+$0x20 ss:$0x1] =	vst.idx.msk $0xffff, v12;
	v12 =	vadd.f32 v21, v63  }
0x163: {  	v16 =	vld [tilespmem:$0x1FFE0];
	[tilespmem:$0x1FBF0] =	vst v21;
	v21 =	vmul.f32 v30, v30;
	v55 =	vadd.f32 v15, v49;
	v31 =	vadd.f32 v22, v33  }
0x164: {  	v28 =	vadd.f32 v14, v50;
	v10 =	vmul.f32 v34, v41;
	v14 =	vmul.f32 v57, v57;
	v34 =	vld [tilespmem:$0x1F970]  }
0x165: {  	[tilespmem:$0x1FBB0] =	vst v25;
	v15 =	vmul.f32 v25, v25;
	v11 =	vadd.f32 v54, v43;
	v54 =	vld [tilespmem:$0x1FFD0];
	v13 =	vadd.f32 v31, v30  }
0x166: {  	s1 =	sor.u32 $0x9, s24;
	[tilespmem:v20+s5+$0x30 ss:$0x1] =	vst.idx.msk $0xffff, v55;
	v33 =	vadd.f32 v25, v57;
	v10 =	vadd.f32 v10, v48;
	v25 =	vld [tilespmem:$0x1FFE0]  }
0x167: {  	s12 =	sadd.s32 s23, s1;
	[tilespmem:$0x1FC10] =	vst v31;
	v55 =	vmul.f32 v31, v31;
	v31 =	vld [tilespmem:$0x1FFF0];
	v12 =	vadd.f32 v13, v12;
	v13 =	vmul.f32 v63, v63  }
0x168: {  	s1 =	sshll.u32 s1, $0x7;
	s4 =	sshll.u32 s12, $0x9;
	v14 =	vadd.f32 v15, v14;
	v15 =	vmul.f32 v36, v32;
	v9 =	vadd.f32 v42, v33;
	v42 =	vld [tilespmem:$0x1FFF0]  }
0x169: {  	p0 =	slt.u32 s12, $0xC8;
	s1 =	sand.u32 $0x3FFFFF80, s1;
	s2 =	sadd.s32 $0xFFFE7000, s4;
	[tilespmem:$0x1FBE0] =	vst v63;
	v36 =	vmul.f32 v34, v24;
	v34 =	vld [tilespmem:$0x1F980];
	v63 =	vadd.f32 v18, v13;
	v13 =	vadd.f32 v55, v21  }
0x16a: {  	s2 =	smov.u32 @p0 s4;
	v9 =	vadd.f32 v12, v9;
	v12 =	vadd.f32 v15, v17;
	v15 =	vperm.xlane v3, v5;
	v18 =	vld.idx.msk [tilespmem:v20+s1+$0x10 ss:$0x1], $0xffff  }
0x16b: {  	s2 =	sshra.s32 s2, $0x2;
	[tilespmem:v20+s5+$0x40 ss:$0x1] =	vst.idx.msk $0xffff, v28;
	v11 =	vadd.f32 v11, v14;
	v26 =	vperm.xlane v8, v25;
	v21 =	vld.idx.msk [tilespmem:v20+s1+$0x20 ss:$0x1], $0xffff  }
0x16c: {  	[tilespmem:v20+s5+$0x50 ss:$0x1] =	vst.idx.msk $0xffff, v10;
	v10 =	vadd.f32 v13, v63;
	v3 =	vadd.f32 v15, v3;
	v15 =	vld [tilespmem:s2+$0x1C00]  }
0x16d: {  	v13 =	vperm.xlane v6, v16;
	[tilespmem:v20+s5+$0x60 ss:$0x1] =	vst.idx.msk $0xffff, v12;
	v12 =	vmul.f32 $7.812500000e-03, v4;
	v4 =	vadd.f32 v8, v26;
	v26 =	vld [tilespmem:s2+$0x1C20]  }
0x16e: {  	v5 =	vmul.f32 v40, v51;
	v28 =	vperm.xlane v9, v58;
	v63 =	vadd.f32 v36, v27;
	v8 =	vld.idx.msk [tilespmem:v20+s1+$0x30 ss:$0x1], $0xffff  }
0x16f: {  	[tilespmem:$0x1FC00] =	vst v30;
	v6 =	vadd.f32 v6, v13;
	v3 =	vmul.f32 $7.812500000e-03, v3;
	v30 =	vmul.f32 v12, v12;
	v13 =	vld.idx.msk [tilespmem:v20+s1+$0x0 ss:$0x1], $0xffff  }
0x170: {  	v10 =	vadd.f32 v10, v11;
	v9 =	vadd.f32 v9, v28;
	v43 =	vperm.xlane v4, v42;
	v42 =	vld [tilespmem:$0x1FFE0]  }
0x171: {  	[tilespmem:v20+s5+$0x70 ss:$0x1] =	vst.idx.msk $0xffff, v63;
	v63 =	vld [tilespmem:$0x1F990];
	v33 =	vperm.xlane v6, v31;
	v3 =	vsub.f32 v3, v30  }
0x172: {  	v28 =	vmul.f32 v56, v38;
	v14 =	vperm.xlane v10, v58;
	v30 =	vld [tilespmem:$0x1FFD0]  }
0x173: {  	v56 =	vld.idx.msk [tilespmem:v20+s1+$0x60 ss:$0x1], $0xffff;
	v55 =	vperm.xlane v9, v54;
	v6 =	vadd.f32 v33, v6;
	v3 =	vadd.f32 $9.999999740e-06, v3  }
0x174: {  	v10 =	vadd.f32 v10, v14;
	v14 =	vld [tilespmem:s2+$0x1C10];
	v33 =	vadd.f32 v5, v35  }
0x175: {  	v9 =	vadd.f32 v9, v55;
	v55 =	vld [tilespmem:s2+$0x1C50];
	v40 =	vshra.s32 v3, $0x1;
	v3 =	vmul.f32 $5.000000000e-01, v3  }
0x176: {  	v36 =	vmul.f32 v34, v39;
	[tilespmem:v20+s31+$0x0 ss:$0x1] =	vst.idx.msk $0xffff, v33;
	v33 =	vld.idx.msk [tilespmem:v20+s1+$0x40 ss:$0x1], $0xffff;
	v54 =	vmul.f32 $7.812500000e-03, v6;
	v34 =	vsub.s32 $0x5F3759DF, v40  }
0x177: {  	v6 =	vld [tilespmem:s2+$0x1C40];
	v31 =	vperm.xlane v10, v30;
	v5 =	vmul.f32 v34, v3  }
0x178: {  	v16 =	vadd.f32 v43, v4;
	v43 =	vperm.xlane v9, v42;
	v42 =	vld.idx.msk [tilespmem:v20+s1+$0x50 ss:$0x1], $0xffff  }
0x179: {  	v11 =	vadd.f32 v28, v47;
	v10 =	vadd.f32 v10, v31;
	v31 =	vmul.f32 v34, v5;
	v5 =	vld [tilespmem:$0x1FFF0]  }
0x17a: {  	v30 =	vld [tilespmem:s2+$0x1C30]  }
0x17b: {  	[tilespmem:v20+s31+$0x10 ss:$0x1] =	vst.idx.msk $0xffff, v11;
	v11 =	vmul.f32 v63, v52;
	v63 =	vld [tilespmem:$0x1FFE0]  }
0x17c: {  	v7 =	vmul.f32 v7, v51;
	v25 =	vadd.f32 v36, v29;
	v40 =	vld [tilespmem:s2+$0x1C60];
	v9 =	vadd.f32 v9, v43  }
0x17d: {  	v16 =	vmul.f32 $7.812500000e-03, v16;
	v36 =	vmul.f32 v54, v54;
	v22 =	vadd.f32 v14, v18;
	v14 =	vld [tilespmem:s2+$0x1C70]  }
0x17e: {  	v7 =	vadd.f32 v7, v35;
	v28 =	vperm.xlane v9, v5;
	v5 =	vld [tilespmem:$0x1F9A0]  }
0x17f: {  	v11 =	vadd.f32 v11, v49;
	v16 =	vsub.f32 v16, v36;
	v36 =	vld [tilespmem:$0x1F9C0]  }
0x180: {  	[tilespmem:v20+s31+$0x20 ss:$0x1] =	vst.idx.msk $0xffff, v25;
	v4 =	vperm.xlane v10, v63;
	v43 =	vsub.f32 $1.500000000e+00, v31;
	v63 =	vld.idx.msk [tilespmem:v20+s1+$0x70 ss:$0x1], $0xffff  }
0x181: {  	v18 =	vadd.f32 v26, v21;
	[tilespmem:v20+s31+$0x30 ss:$0x1] =	vst.idx.msk $0xffff, v11;
	v40 =	vadd.f32 v40, v56  }
0x182: {  	v10 =	vadd.f32 v10, v4;
	v11 =	vmul.f32 v34, v43;
	v4 =	vadd.f32 v6, v33  }
0x183: {  	v9 =	vadd.f32 v28, v9;
	v28 =	vadd.f32 v15, v13;
	v13 =	vmul.f32 v5, v60  }
0x184: {  	v34 =	vadd.f32 v55, v42;
	v15 =	vmul.f32 v11, v3;
	v5 =	vadd.f32 v30, v8  }
0x185: {  	v43 =	vadd.f32 v14, v63;
	v30 =	vld [tilespmem:$0x1F9B0];
	v26 =	vadd.f32 v13, v50;
	v13 =	vmul.f32 v36, v32  }
0x186: {  	[tilespmem:v20+s30+$0x0 ss:$0x1] =	vst.idx.msk $0xffff, v7;
	v56 =	vadd.f32 v22, v28;
	v14 =	vadd.f32 v5, v18  }
0x187: {  	v25 =	vadd.f32 v34, v4;
	v55 =	vadd.f32 v13, v17;
	v13 =	vmul.f32 v15, v11  }
0x188: {  	[tilespmem:v20+s31+$0x40 ss:$0x1] =	vst.idx.msk $0xffff, v26;
	v15 =	vmul.f32 v22, v22;
	v6 =	vadd.f32 v14, v56;
	v26 =	vld [tilespmem:$0x1F9D0]  }
0x189: {  	[tilespmem:$0x1FC40] =	vst v18;
	v14 =	vmul.f32 v18, v18;
	v18 =	vmul.f32 v5, v5;
	v63 =	vsub.f32 $1.500000000e+00, v13  }
0x18a: {  	v21 =	vadd.f32 v43, v40;
	v33 =	vmul.f32 v30, v41;
	v13 =	vmul.f32 v28, v28  }
0x18b: {  	v14 =	vadd.f32 v18, v14;
	v18 =	vmul.f32 v34, v34;
	v8 =	vmul.f32 v63, v11  }
0x18c: {  	v13 =	vadd.f32 v15, v13;
	v11 =	vadd.f32 v21, v25;
	v21 =	vmul.f32 v23, v38  }
0x18d: {  	v42 =	vadd.f32 v33, v48;
	v15 =	vmul.f32 v26, v24;
	v3 =	vmul.f32 v8, v3  }
0x18e: {  	v23 =	vmul.f32 v43, v43;
	v13 =	vadd.f32 v14, v13;
	v14 =	vmul.f32 v4, v4  }
0x18f: {  	v31 =	vld [tilespmem:$0x1F9E0];
	[tilespmem:v20+s31+$0x50 ss:$0x1] =	vst.idx.msk $0xffff, v42;
	v15 =	vadd.f32 v15, v27;
	v3 =	vmul.f32 v3, v8  }
0x190: {  	v36 =	vld [tilespmem:$0x1FFF0];
	[tilespmem:v20+s31+$0x60 ss:$0x1] =	vst.idx.msk $0xffff, v55;
	v14 =	vadd.f32 v18, v14;
	v18 =	vmul.f32 v40, v40  }
0x191: {  	v56 =	vld [tilespmem:$0x1FA30];
	[tilespmem:v20+s31+$0x70 ss:$0x1] =	vst.idx.msk $0xffff, v15;
	v3 =	vsub.f32 $1.500000000e+00, v3  }
0x192: {  	v33 =	vld [tilespmem:$0x1F9F0];
	s31 =	sor.u32 $0xA, s24;
	v15 =	vadd.f32 v23, v18;
	v18 =	vadd.f32 v21, v47;
	v21 =	vmul.f32 v53, v39  }
0x193: {  	[tilespmem:$0x1FC20] =	vst v28;
	v30 =	vadd.f32 $9.999999740e-06, v16;
	v28 =	vsub.f32 $0.0e+00, v12;
	v63 =	vld [tilespmem:$0x1FFD0];
	s5 =	sadd.s32 s23, s31;
	s2 =	sshll.u32 s31, $0x7;
	v3 =	vmul.f32 v3, v8  }
0x194: {  	v42 =	vld [tilespmem:$0x1FA00];
	s12 =	sshll.u32 s5, $0x9;
	p0 =	slt.u32 s5, $0xC8;
	s5 =	sand.u32 $0x3FFFFF80, s2;
	v12 =	vadd.f32 v15, v14;
	v14 =	vadd.f32 v21, v29;
	v15 =	vmul.f32 v31, v52  }
0x195: {  	v16 =	vshra.s32 v30, $0x1;
	[tilespmem:v20+s30+$0x10 ss:$0x1] =	vst.idx.msk $0xffff, v18;
	v8 =	vmul.f32 $5.000000000e-01, v30;
	v30 =	vld.idx.msk [tilespmem:v20+s5+$0x0 ss:$0x1], $0xffff;
	v31 =	vmul.f32 $7.812500000e-03, v9  }
0x196: {  	v9 =	vld.idx.msk [tilespmem:v20+s5+$0x20 ss:$0x1], $0xffff;
	v7 =	vmul.f32 v3, v28;
	[tilespmem:v20+s30+$0x20 ss:$0x1] =	vst.idx.msk $0xffff, v14;
	v14 =	vmul.f32 v3, v46  }
0x197: {  	v16 =	vsub.s32 $0x5F3759DF, v16;
	s4 =	sadd.s32 $0xFFFE7000, s12;
	v18 =	vmul.f32 v3, v33;
	v21 =	vmul.f32 v3, v44;
	v44 =	vld [tilespmem:$0x1FA10]  }
0x198: {  	[tilespmem:$0x1FC80] =	vst v34;
	v6 =	vadd.f32 v11, v6;
	s4 =	smov.u32 @p0 s12;
	v34 =	vmul.f32 v16, v8;
	v23 =	vmul.f32 v3, v45;
	v45 =	vld [tilespmem:$0x1FA20]  }
0x199: {  	[tilespmem:$0x1FCA0] =	vst v40;
	v12 =	vadd.f32 v12, v13;
	v13 =	vperm.xlane v10, v36;
	v40 =	vmul.f32 v3, v37;
	s12 =	sshra.s32 s4, $0x2;
	v46 =	vld [tilespmem:$0x1FFD0]  }
0x19a: {  	[tilespmem:$0x1FCB0] =	vst v43;
	v15 =	vadd.f32 v15, v49;
	v43 =	vmul.f32 v3, v42;
	v37 =	vld [tilespmem:s12+$0x1C00];
	v11 =	vmul.f32 v16, v34  }
0x19b: {  	v10 =	vadd.f32 v13, v10;
	v13 =	vperm.xlane v6, v58;
	v28 =	vadd.f32 v7, v14;
	v14 =	vld.idx.msk [tilespmem:v20+s5+$0x10 ss:$0x1], $0xffff  }
0x19c: {  	[tilespmem:v20+s30+$0x30 ss:$0x1] =	vst.idx.msk $0xffff, v15;
	v15 =	vmul.f32 v3, v19;
	v55 =	vadd.f32 v7, v21;
	v21 =	vld [tilespmem:s12+$0x1C20]  }
0x19d: {  	v19 =	vperm.xlane v12, v58;
	v33 =	vadd.f32 v7, v23;
	v25 =	vadd.f32 v7, v40;
	v23 =	vld.idx.msk [tilespmem:v20+s5+$0x30 ss:$0x1], $0xffff  }
0x19e: {  	v26 =	vadd.f32 v7, v43;
	v40 =	vld [tilespmem:$0x1FA40];
	v11 =	vsub.f32 $1.500000000e+00, v11  }
0x19f: {  	v43 =	vld [tilespmem:$0x1FA50];
	v6 =	vadd.f32 v6, v13;
	v12 =	vadd.f32 v12, v19  }
0x1a0: {  	v19 =	vld [tilespmem:s12+$0x1C10];
	v36 =	vadd.f32 v7, v15;
	v10 =	vmul.f32 $7.812500000e-03, v10;
	v15 =	vmul.f32 v31, v31  }
0x1a1: {  	v3 =	vmul.f32 v3, v44;
	v13 =	vmul.f32 v45, v60;
	v45 =	vld [tilespmem:s12+$0x1C30]  }
0x1a2: {  	v16 =	vmul.f32 v16, v11;
	v53 =	vperm.xlane v6, v46;
	v10 =	vsub.f32 v10, v15;
	v46 =	vld.idx.msk [tilespmem:v20+s5+$0x40 ss:$0x1], $0xffff  }
0x1a3: {  	v15 =	vmul.f32 v56, v41;
	v56 =	vld.idx.msk [tilespmem:v20+s5+$0x50 ss:$0x1], $0xffff;
	v34 =	vadd.f32 v7, v3;
	v3 =	vperm.xlane v12, v63  }
0x1a4: {  	[tilespmem:$0x1FC30] =	vst v22;
	v22 =	vadd.f32 v7, v18;
	v11 =	vadd.f32 v13, v50;
	v44 =	vmul.f32 v43, v24;
	v63 =	vld [tilespmem:s12+$0x1C60]  }
0x1a5: {  	v43 =	vld [tilespmem:$0x1FA70];
	v7 =	vmul.f32 v16, v8;
	v6 =	vadd.f32 v6, v53;
	v13 =	vadd.f32 v12, v3  }
0x1a6: {  	v53 =	vld [tilespmem:s12+$0x1C40];
	v10 =	vadd.f32 $9.999999740e-06, v10;
	v12 =	vadd.f32 v15, v48;
	v15 =	vmul.f32 v40, v32;
	[tilespmem:v20+s30+$0x40 ss:$0x1] =	vst.idx.msk $0xffff, v11  }
0x1a7: {  	v11 =	vadd.f32 v37, v30;
	v18 =	vadd.f32 v19, v14;
	v40 =	vld [tilespmem:$0x1FA60];
	v7 =	vmul.f32 v7, v16  }
0x1a8: {  	v37 =	vld [tilespmem:s12+$0x1C50];
	v14 =	vadd.f32 v44, v27;
	v3 =	vadd.f32 v21, v9  }
0x1a9: {  	v19 =	vld [tilespmem:s12+$0x1C70];
	v30 =	vshra.s32 v10, $0x1;
	[tilespmem:v20+s30+$0x50 ss:$0x1] =	vst.idx.msk $0xffff, v12;
	v12 =	vadd.f32 v15, v17;
	v7 =	vsub.f32 $1.500000000e+00, v7  }
0x1aa: {  	v10 =	vmul.f32 $5.000000000e-01, v10;
	v42 =	vadd.f32 v45, v23;
	v15 =	vld.idx.msk [tilespmem:v20+s5+$0x60 ss:$0x1], $0xffff;
	v9 =	vsub.s32 $0x5F3759DF, v30  }
0x1ab: {  	v21 =	vmul.f32 v43, v38;
	[tilespmem:v20+s30+$0x60 ss:$0x1] =	vst.idx.msk $0xffff, v12;
	v12 =	vld.idx.msk [tilespmem:v20+s5+$0x70 ss:$0x1], $0xffff;
	v7 =	vmul.f32 v7, v16  }
0x1ac: {  	v23 =	vmul.f32 v9, v10;
	[tilespmem:v20+s30+$0x70 ss:$0x1] =	vst.idx.msk $0xffff, v14;
	v14 =	vmul.f32 v40, v51  }
0x1ad: {  	v46 =	vadd.f32 v53, v46;
	v44 =	vadd.f32 v37, v56;
	v8 =	vmul.f32 v7, v8  }
0x1ae: {  	v21 =	vadd.f32 v21, v47;
	v23 =	vmul.f32 v9, v23;
	v16 =	vld [tilespmem:$0x1FFE0];
	v14 =	vadd.f32 v14, v35  }
0x1af: {  	v56 =	vadd.f32 v18, v11;
	v45 =	vadd.f32 v63, v15;
	v8 =	vmul.f32 v8, v7  }
0x1b0: {  	[tilespmem:v20+s26+$0x0 ss:$0x1] =	vst.idx.msk $0xffff, v14;
	v14 =	vsub.f32 $1.500000000e+00, v23;
	v53 =	vadd.f32 v19, v12  }
0x1b1: {  	v12 =	vadd.f32 v42, v3;
	v8 =	vsub.f32 $1.500000000e+00, v8  }
0x1b2: {  	[tilespmem:$0x1FD10] =	vst v42;
	v9 =	vmul.f32 v9, v14;
	v14 =	vadd.f32 v44, v46;
	v15 =	vadd.f32 v53, v45  }
0x1b3: {  	[tilespmem:v20+s26+$0x10 ss:$0x1] =	vst.idx.msk $0xffff, v21;
	v30 =	vperm.xlane v6, v16;
	v21 =	vmul.f32 v42, v42;
	v42 =	vld [tilespmem:$0x1FA90]  }
0x1b4: {  	v63 =	vld [tilespmem:$0x1FA80];
	v7 =	vmul.f32 v8, v7;
	v8 =	vadd.f32 v12, v56;
	v14 =	vadd.f32 v15, v14  }
0x1b5: {  	[tilespmem:$0x1FD80] =	vst v44;
	v40 =	vmul.f32 v44, v44;
	v44 =	vld [tilespmem:$0x1FAB0]  }
0x1b6: {  	v6 =	vadd.f32 v6, v30;
	v30 =	vld [tilespmem:$0x1FAE0];
	v8 =	vadd.f32 v14, v8;
	v14 =	vmul.f32 v46, v46  }
0x1b7: {  	[tilespmem:$0x1FC60] =	vst v5;
	v19 =	vmul.f32 v18, v18;
	v15 =	vmul.f32 v11, v11  }
0x1b8: {  	[tilespmem:$0x1FD00] =	vst v3;
	v37 =	vmul.f32 v3, v3;
	v5 =	vadd.f32 v40, v14;
	v14 =	vmul.f32 v42, v52  }
0x1b9: {  	[tilespmem:$0x1FD90] =	vst v45;
	v3 =	vadd.f32 v19, v15;
	v15 =	vmul.f32 v45, v45;
	v19 =	vmul.f32 v53, v53;
	v45 =	vld [tilespmem:$0x1FAC0]  }
0x1ba: {  	v12 =	vmul.f32 v63, v39;
	v63 =	vadd.f32 v14, v49;
	v14 =	vmul.f32 v44, v41;
	v44 =	vld [tilespmem:$0x1FB00]  }
0x1bb: {  	[tilespmem:$0x1FC70] =	vst v4;
	v4 =	vadd.f32 v19, v15;
	v40 =	vmov v51;
	v19 =	vmul.f32 v30, v51;
	v51 =	vld [tilespmem:$0x1FB10];
	_ =	sdelay $0x2  }
0x1bc: {  	v56 =	vmul.f32 v45, v32  }
0x1bd: {  	v1 =	vmul.f32 v62, v32;
	v43 =	vld [tilespmem:$0x1FAA0];
	v45 =	vmul.f32 v44, v52  }
0x1be: {  	v2 =	vadd.f32 v21, v37;
	v37 =	vld [tilespmem:$0x1FAF0];
	v21 =	vadd.f32 v56, v17;
	v56 =	vmul.f32 v51, v60  }
0x1bf: {  	v44 =	vadd.f32 v45, v49  }
0x1c0: {  	[tilespmem:$0x1FB20] =	vst v0;
	v45 =	vadd.f32 v56, v50;
	v56 =	vadd.f32 v1, v17;
	v1 =	vld [tilespmem:$0x1FB30]  }
0x1c1: {  	v55 =	vmul.f32 v55, v39;
	[tilespmem:$0x1FCC0] =	vst v11;
	v23 =	vmul.f32 v61, v39;
	v11 =	vld [tilespmem:$0x1FAD0];
	v12 =	vadd.f32 v12, v29  }
0x1c2: {  	v0 =	vmovc v52;
	v61 =	vmov v60;
	v15 =	vmul.f32 v43, v60;
	v28 =	vmul.f32 v28, v40;
	v60 =	vld [tilespmem:$0x1FB20]  }
0x1c3: {  	v42 =	vmul.f32 v37, v38;
	[tilespmem:v20+s26+$0x20 ss:$0x1] =	vst.idx.msk $0xffff, v12;
	v12 =	vmul.f32 v22, v38;
	v22 =	vsub.f32 $0.0e+00, v54  }
0x1c4: {  	[tilespmem:$0x1FCD0] =	vst v18;
	v18 =	vadd.f32 v15, v50;
	v62 =	vadd.f32 v28, v35;
	v28 =	vmul.f32 v33, v0  }
0x1c5: {  	v33 =	vadd.f32 v12, v47;
	v0 =	vmul.f32 v7, v22;
	v12 =	vmul.f32 v7, v1  }
0x1c6: {  	[tilespmem:$0x1FDC0] =	vst v53;
	v15 =	vmul.f32 v11, v24;
	v37 =	vadd.f32 v42, v47;
	v11 =	vmul.f32 v59, v24  }
0x1c7: {  	v42 =	vadd.f32 v23, v29;
	v51 =	vmovc v41;
	v23 =	vmul.f32 v60, v41;
	v1 =	vadd.f32 v0, v12;
	v12 =	vld [tilespmem:$0x1FB40]  }
0x1c8: {  	v53 =	vmovc v29;
	v60 =	vadd.f32 v11, v27;
	v11 =	vmul.f32 v25, v61;
	v25 =	vmul.f32 v26, v51  }
0x1c9: {  	v54 =	vadd.f32 v55, v53;
	v29 =	vmov v49;
	v41 =	vmov v24  }
0x1ca: {  	v55 =	vadd.f32 v28, v29;
	v28 =	vmul.f32 v34, v41;
	v25 =	vadd.f32 v25, v48  }
0x1cb: {  	v16 =	vmov v27  }
0x1cc: {  	[tilespmem:$0x1FC90] =	vst v25;
	v25 =	vmul.f32 v7, v12;
	v12 =	vadd.f32 v28, v16;
	_ =	sdelay $0x1  }
0x1cd: {  	[tilespmem:$0x1FCE0] =	vst v12;
	v12 =	vld [tilespmem:$0x1FB50];
	_ =	sdelay $0x1  }
0x1ce: {  	v14 =	vadd.f32 v14, v48;
	v49 =	vmov v48  }
0x1cf: {  	v24 =	vmovc v17;
	v59 =	vadd.f32 v23, v48;
	v17 =	vadd.f32 v11, v50;
	v48 =	vmul.f32 v1, v40  }
0x1d0: {  	v26 =	vmul.f32 v36, v32  }
0x1d1: {  	[tilespmem:$0x1FC50] =	vst v17;
	v17 =	vmul.f32 v7, v12;
	v12 =	vadd.f32 v48, v35  }
0x1d2: {  	v34 =	vadd.f32 v26, v24;
	v26 =	vmul.f32 v9, v10  }
0x1d3: {  	[tilespmem:$0x1FCF0] =	vst v12;
	v12 =	vld [tilespmem:$0x1FB60]  }
0x1d4: {  	v26 =	vmul.f32 v26, v9;
	v17 =	vadd.f32 v0, v17;
	_ =	sdelay $0x1  }
0x1d5: {  	v26 =	vsub.f32 $1.500000000e+00, v26;
	v17 =	vmul.f32 v17, v39;
	_ =	sdelay $0x1  }
0x1d6: {  	v9 =	vmul.f32 v26, v9;
	v26 =	vadd.f32 v17, v53;
	v1 =	vmul.f32 v7, v12;
	v12 =	vld [tilespmem:$0x1FB70]  }
0x1d7: {  	v25 =	vadd.f32 v0, v25  }
0x1d8: {  	[tilespmem:$0x1FD30] =	vst v26;
	v26 =	vld [tilespmem:$0x1FFE0]  }
0x1d9: {  	v25 =	vmul.f32 v25, v38;
	_ =	sdelay $0x1  }
0x1da: {  	v36 =	vmov v32;
	v25 =	vadd.f32 v25, v47;
	v32 =	vmul.f32 v7, v12;
	v12 =	vld [tilespmem:$0x1FB80]  }
0x1db: {  	v11 =	vmov v24;
	v24 =	vadd.f32 v0, v1  }
0x1dc: {  	v19 =	vadd.f32 v19, v35;
	[tilespmem:$0x1FD20] =	vst v25;
	v25 =	vadd.f32 v2, v3;
	v3 =	vperm.xlane v13, v26  }
0x1dd: {  	[tilespmem:v20+s26+$0x30 ss:$0x1] =	vst.idx.msk $0xffff, v63;
	v24 =	vmul.f32 v24, v52  }
0x1de: {  	v15 =	vadd.f32 v15, v27;
	[tilespmem:v20+s25+$0x0 ss:$0x1] =	vst.idx.msk $0xffff, v19;
	v3 =	vadd.f32 v13, v3;
	v13 =	vld [tilespmem:$0x1FFF0]  }
0x1df: {  	v27 =	vadd.f32 v0, v32;
	v32 =	vadd.f32 v24, v29;
	v1 =	vmul.f32 v7, v12  }
0x1e0: {  	[tilespmem:v20+s26+$0x40 ss:$0x1] =	vst.idx.msk $0xffff, v18  }
0x1e1: {  	[tilespmem:v20+s25+$0x10 ss:$0x1] =	vst.idx.msk $0xffff, v37;
	v28 =	vadd.f32 v0, v1  }
0x1e2: {  	s30 =	sor.u32 $0xB, s24;
	[tilespmem:v20+s28+$0x0 ss:$0x1] =	vst.idx.msk $0xffff, v62;
	v27 =	vmul.f32 v27, v61  }
0x1e3: {  	s31 =	sadd.s32 s23, s30;
	[tilespmem:$0x1FD40] =	vst v32;
	v12 =	vmovc v47;
	v32 =	vmov v51;
	v13 =	vperm.xlane v6, v13;
	v47 =	vmul.f32 v28, v51;
	v51 =	vld [tilespmem:$0x1FB90]  }
0x1e4: {  	s12 =	sshll.u32 s31, $0x9;
	v22 =	vmov v39;
	[tilespmem:v20+s26+$0x50 ss:$0x1] =	vst.idx.msk $0xffff, v14;
	v24 =	vld [tilespmem:$0x1FBA0];
	v39 =	vadd.f32 v27, v50  }
0x1e5: {  	p0 =	slt.u32 s31, $0xC8;
	s4 =	sadd.s32 $0xFFFE7000, s12;
	v10 =	vmul.f32 v9, v10;
	v28 =	vadd.f32 v4, v5;
	v6 =	vadd.f32 v13, v6;
	v13 =	vld [tilespmem:$0x1FFF0]  }
0x1e6: {  	s4 =	smov.u32 @p0 s12;
	[tilespmem:$0x1FD50] =	vst v39;
	v39 =	vperm.xlane v8, v58  }
0x1e7: {  	s12 =	sshra.s32 s4, $0x2;
	[tilespmem:v20+s26+$0x60 ss:$0x1] =	vst.idx.msk $0xffff, v21;
	v10 =	vmul.f32 v10, v9;
	v1 =	vadd.f32 v28, v25;
	v25 =	vld [tilespmem:$0x1FFD0]  }
0x1e8: {  	v19 =	vld [tilespmem:s12+$0x1C20];
	v2 =	vadd.f32 v8, v39;
	v27 =	vadd.f32 v47, v49;
	v63 =	vmul.f32 v7, v51  }
0x1e9: {  	s2 =	sshll.u32 s30, $0x7;
	v37 =	vld [tilespmem:$0x1FBD0];
	[tilespmem:v20+s26+$0x70 ss:$0x1] =	vst.idx.msk $0xffff, v15;
	v23 =	vmovc v53;
	v47 =	vsub.f32 $1.500000000e+00, v10;
	v17 =	vmul.f32 $7.812500000e-03, v6;
	v51 =	vperm.xlane v1, v58  }
0x1ea: {  	s30 =	sand.u32 $0x3FFFFF80, s2;
	v14 =	vld [tilespmem:s12+$0x1C10];
	v53 =	vmovc v29;
	v7 =	vmul.f32 v7, v24;
	v13 =	vperm.xlane v3, v13;
	v29 =	vadd.f32 v0, v63  }
0x1eb: {  	v15 =	vld.idx.msk [tilespmem:v20+s30+$0x20 ss:$0x1], $0xffff;
	v26 =	vsub.f32 $0.0e+00, v31;
	[tilespmem:$0x1FD60] =	vst v27;
	v27 =	vmul.f32 v17, v17;
	v63 =	vmul.f32 v47, v9  }
0x1ec: {  	v28 =	vld [tilespmem:$0x1FFD0];
	v5 =	vperm.xlane v2, v25;
	v3 =	vadd.f32 v13, v3;
	v4 =	vmul.f32 v29, v36  }
0x1ed: {  	v39 =	vld [tilespmem:$0x1FBB0];
	v1 =	vadd.f32 v1, v51;
	v18 =	vmul.f32 v63, v26;
	v29 =	vmul.f32 v63, v57  }
0x1ee: {  	[tilespmem:v20+s25+$0x20 ss:$0x1] =	vst.idx.msk $0xffff, v42;
	v31 =	vld [tilespmem:$0x1FFE0];
	v0 =	vadd.f32 v0, v7;
	v2 =	vadd.f32 v2, v5;
	v3 =	vmul.f32 $7.812500000e-03, v3  }
0x1ef: {  	[tilespmem:v20+s28+$0x10 ss:$0x1] =	vst.idx.msk $0xffff, v33;
	v8 =	vld [tilespmem:s12+$0x1C00];
	v4 =	vadd.f32 v4, v11;
	v5 =	vadd.f32 v18, v29  }
0x1f0: {  	[tilespmem:v20+s28+$0x20 ss:$0x1] =	vst.idx.msk $0xffff, v54;
	v51 =	vld [tilespmem:$0x1FFE0];
	v0 =	vmul.f32 v0, v41;
	v3 =	vsub.f32 v3, v27  }
0x1f1: {  	v24 =	vld [tilespmem:$0x1FFF0];
	[tilespmem:$0x1FD70] =	vst v4;
	v4 =	vperm.xlane v1, v28;
	v25 =	vmul.f32 v5, v40  }
0x1f2: {  	v7 =	vld.idx.msk [tilespmem:v20+s30+$0x0 ss:$0x1], $0xffff;
	v6 =	vmul.f32 v63, v39;
	v21 =	vmul.f32 v63, v37;
	v3 =	vadd.f32 $9.999999740e-06, v3  }
0x1f3: {  	v48 =	vmovc v35;
	v1 =	vadd.f32 v1, v4;
	v4 =	vperm.xlane v2, v31;
	v28 =	vadd.f32 v25, v35;
	v35 =	vld [tilespmem:$0x1FBC0]  }
0x1f4: {  	[tilespmem:v20+s28+$0x30 ss:$0x1] =	vst.idx.msk $0xffff, v55;
	v6 =	vadd.f32 v18, v6;
	v31 =	vld [tilespmem:$0x1FFF0];
	v57 =	vshra.s32 v3, $0x1;
	v3 =	vmul.f32 $5.000000000e-01, v3  }
0x1f5: {  	[tilespmem:v20+s25+$0x30 ss:$0x1] =	vst.idx.msk $0xffff, v44;
	v2 =	vadd.f32 v2, v4;
	v4 =	vperm.xlane v1, v51;
	v9 =	vsub.s32 $0x5F3759DF, v57;
	v51 =	vld [tilespmem:$0x1FBF0]  }
0x1f6: {  	v10 =	vld.idx.msk [tilespmem:v20+s30+$0x10 ss:$0x1], $0xffff;
	v13 =	vadd.f32 v0, v16;
	v21 =	vadd.f32 v18, v21;
	v26 =	vmul.f32 v9, v3  }
0x1f7: {  	v43 =	vmovc v38;
	v6 =	vmul.f32 v6, v38;
	v38 =	vld [tilespmem:$0x1FBE0];
	v1 =	vadd.f32 v1, v4;
	v4 =	vperm.xlane v2, v24  }
0x1f8: {  	v27 =	vadd.f32 v8, v7;
	v8 =	vld.idx.msk [tilespmem:v20+s30+$0x60 ss:$0x1], $0xffff;
	v0 =	vmul.f32 v63, v35;
	v5 =	vmul.f32 v9, v26  }
0x1f9: {  	v24 =	vld.idx.msk [tilespmem:v20+s30+$0x30 ss:$0x1], $0xffff;
	v2 =	vadd.f32 v4, v2;
	v4 =	vperm.xlane v1, v31;
	v31 =	vmul.f32 v21, v52  }
0x1fa: {  	v30 =	vmovc v52;
	v26 =	vld.idx.msk [tilespmem:v20+s30+$0x40 ss:$0x1], $0xffff;
	v52 =	vadd.f32 v19, v15;
	v57 =	vmul.f32 v63, v51;
	v5 =	vsub.f32 $1.500000000e+00, v5  }
0x1fb: {  	[tilespmem:v20+s25+$0x40 ss:$0x1] =	vst.idx.msk $0xffff, v45;
	v51 =	vadd.f32 v14, v10;
	v10 =	vld [tilespmem:s12+$0x1C60];
	v1 =	vadd.f32 v4, v1;
	v39 =	vmul.f32 $7.812500000e-03, v2  }
0x1fc: {  	v0 =	vadd.f32 v18, v0;
	v2 =	vld [tilespmem:s12+$0x1C30];
	v4 =	vmul.f32 v63, v38;
	v5 =	vmul.f32 v9, v5  }
0x1fd: {  	[tilespmem:v20+s25+$0x50 ss:$0x1] =	vst.idx.msk $0xffff, v59;
	v38 =	vld [tilespmem:s12+$0x1C40];
	v25 =	vadd.f32 v18, v57;
	v1 =	vmul.f32 $7.812500000e-03, v1;
	v35 =	vmul.f32 v39, v39  }
0x1fe: {  	v37 =	vmul.f32 v0, v22;
	v0 =	vadd.f32 v6, v12;
	v4 =	vadd.f32 v18, v4  }
0x1ff: {  	v9 =	vld.idx.msk [tilespmem:v20+s30+$0x50 ss:$0x1], $0xffff;
	v42 =	vmul.f32 v5, v3;
	v14 =	vmul.f32 v25, v32;
	v1 =	vsub.f32 v1, v35  }
0x200: {  	v57 =	vld [tilespmem:s12+$0x1C50];
	v4 =	vmul.f32 v4, v61;
	v35 =	vadd.f32 v37, v23;
	v15 =	vadd.f32 v10, v8  }
0x201: {  	v37 =	vld [tilespmem:$0x1FC00];
	v7 =	vmul.f32 v42, v5;
	v42 =	vadd.f32 v31, v53;
	v14 =	vadd.f32 v14, v49  }
0x202: {  	v47 =	vmovc v11;
	v11 =	vmov v53;
	v21 =	vld.idx.msk [tilespmem:v20+s30+$0x70 ss:$0x1], $0xffff;
	v24 =	vadd.f32 v2, v24;
	v26 =	vadd.f32 v38, v26  }
0x203: {  	v31 =	vmovc v50;
	v38 =	vadd.f32 v51, v27;
	v53 =	vmul.f32 v51, v51;
	v4 =	vadd.f32 v4, v50;
	v50 =	vld [tilespmem:s12+$0x1C70]  }
0x204: {  	v1 =	vadd.f32 $9.999999740e-06, v1;
	v25 =	vmul.f32 v15, v15;
	[tilespmem:$0x1FDB0] =	vst v14;
	v7 =	vsub.f32 $1.500000000e+00, v7  }
0x205: {  	[tilespmem:$0x1FE00] =	vst v24;
	v14 =	vadd.f32 v57, v9;
	v57 =	vmul.f32 v52, v52;
	v59 =	vmul.f32 v24, v24  }
0x206: {  	v44 =	vadd.f32 v24, v52;
	[tilespmem:$0x1FDA0] =	vst v4;
	v4 =	vmul.f32 v63, v37;
	v5 =	vmul.f32 v7, v5  }
0x207: {  	v24 =	vmul.f32 v26, v26;
	[tilespmem:$0x1FE10] =	vst v14;
	v45 =	vadd.f32 v14, v26;
	v14 =	vmul.f32 v14, v14  }
0x208: {  	v4 =	vadd.f32 v18, v4;
	v29 =	vmul.f32 v5, v3;
	v19 =	vadd.f32 v50, v21  }
0x209: {  	[tilespmem:v20+s3+$0x0 ss:$0x1] =	vst.idx.msk $0xffff, v28;
	v50 =	vmul.f32 v27, v27;
	v9 =	vadd.f32 v14, v24;
	v14 =	vshra.s32 v1, $0x1  }
0x20a: {  	[tilespmem:v20+s3+$0x10 ss:$0x1] =	vst.idx.msk $0xffff, v0;
	v1 =	vmul.f32 $5.000000000e-01, v1;
	v37 =	vmul.f32 v4, v36;
	v8 =	vadd.f32 v19, v15  }
0x20b: {  	v2 =	vmul.f32 v29, v5;
	v4 =	vadd.f32 v44, v38;
	v6 =	vadd.f32 v53, v50  }
0x20c: {  	[tilespmem:$0x1FE20] =	vst v15;
	v15 =	vmul.f32 v19, v19;
	v29 =	vsub.s32 $0x5F3759DF, v14;
	v44 =	vld [tilespmem:$0x1FC10];
	v7 =	vadd.f32 v8, v45  }
0x20d: {  	v55 =	vld [tilespmem:$0x1FFD0];
	v14 =	vmul.f32 v29, v1;
	v8 =	vadd.f32 v59, v57;
	v53 =	vadd.f32 v37, v47  }
0x20e: {  	[tilespmem:v20+s3+$0x20 ss:$0x1] =	vst.idx.msk $0xffff, v35;
	v35 =	vld [tilespmem:$0x1FDA0];
	v10 =	vadd.f32 v15, v25;
	v2 =	vsub.f32 $1.500000000e+00, v2  }
0x20f: {  	v24 =	vld [tilespmem:$0x1FC60];
	v37 =	vsub.f32 $0.0e+00, v17;
	v38 =	vmul.f32 v29, v14;
	v4 =	vadd.f32 v7, v4  }
0x210: {  	[tilespmem:v20+s25+$0x60 ss:$0x1] =	vst.idx.msk $0xffff, v56;
	v14 =	vld [tilespmem:$0x1FC30];
	v6 =	vadd.f32 v8, v6;
	v33 =	vadd.f32 v10, v9  }
0x211: {  	[tilespmem:$0x1FE30] =	vst v19;
	v19 =	vmovc v47;
	v47 =	vld [tilespmem:$0x1FC20];
	v2 =	vmul.f32 v2, v5;
	v9 =	vmul.f32 v63, v44;
	v8 =	vsub.f32 $1.500000000e+00, v38  }
0x212: {  	s26 =	sor.u32 $0xC, s24;
	[tilespmem:v20+s25+$0x70 ss:$0x1] =	vst.idx.msk $0xffff, v60;
	v59 =	vld [tilespmem:$0x1FFD0];
	v6 =	vadd.f32 v33, v6;
	v45 =	vperm.xlane v4, v58  }
0x213: {  	s2 =	sshll.u32 s26, $0x7;
	v17 =	vld [tilespmem:$0x1FFE0];
	v5 =	vmul.f32 v2, v37;
	v9 =	vadd.f32 v18, v9;
	v3 =	vmul.f32 v29, v8  }
0x214: {  	s25 =	sand.u32 $0x3FFFFF80, s2;
	v25 =	vld [tilespmem:$0x1FFE0];
	v8 =	vmul.f32 v2, v24;
	v4 =	vadd.f32 v4, v45;
	v50 =	vperm.xlane v6, v58  }
0x215: {  	s31 =	sadd.s32 s23, s26;
	v15 =	vld.idx.msk [tilespmem:v20+s25+$0x0 ss:$0x1], $0xffff;
	v14 =	vmul.f32 v2, v14;
	v54 =	vmul.f32 v9, v41  }
0x216: {  	s12 =	sshll.u32 s31, $0x9;
	v44 =	vld [tilespmem:$0x1FFF0];
	v8 =	vadd.f32 v5, v8;
	v6 =	vadd.f32 v6, v50;
	v7 =	vperm.xlane v4, v55  }
0x217: {  	p0 =	slt.u32 s31, $0xC8;
	s4 =	sadd.s32 $0xFFFE7000, s12;
	v33 =	vmovc v16;
	v57 =	vadd.f32 v5, v14;
	v14 =	vmul.f32 v3, v1;
	v63 =	vadd.f32 v54, v16;
	v16 =	vld [tilespmem:$0x1FC40]  }
0x218: {  	s4 =	smov.u32 @p0 s12;
	v10 =	vmul.f32 v2, v47;
	v8 =	vmul.f32 v8, v30;
	v54 =	vld [tilespmem:$0x1FFF0]  }
0x219: {  	s12 =	sshra.s32 s4, $0x2;
	v4 =	vadd.f32 v4, v7;
	v7 =	vperm.xlane v6, v59;
	v62 =	vmul.f32 v14, v3;
	v14 =	vld [tilespmem:$0x1FC50]  }
0x21a: {  	v10 =	vadd.f32 v5, v10;
	v60 =	vmul.f32 v57, v43;
	v50 =	vadd.f32 v8, v11;
	v8 =	vld [tilespmem:s12+$0x1C10]  }
0x21b: {  	v6 =	vadd.f32 v6, v7;
	v7 =	vperm.xlane v4, v17;
	v17 =	vld [tilespmem:$0x1FC80]  }
0x21c: {  	v18 =	vmovc v41;
	v29 =	vmov v12;
	v56 =	vmul.f32 v10, v40;
	v41 =	vadd.f32 v60, v12;
	v12 =	vld [tilespmem:$0x1FC70]  }
0x21d: {  	v10 =	vmul.f32 v2, v16;
	v4 =	vadd.f32 v4, v7;
	v7 =	vperm.xlane v6, v25;
	v16 =	vld [tilespmem:s12+$0x1C00]  }
0x21e: {  	v9 =	vsub.f32 $1.500000000e+00, v62;
	v25 =	vld [tilespmem:$0x1FC90]  }
0x21f: {  	v10 =	vadd.f32 v5, v10;
	v6 =	vadd.f32 v6, v7;
	v7 =	vperm.xlane v4, v44;
	v44 =	vld [tilespmem:$0x1FCD0]  }
0x220: {  	v3 =	vmul.f32 v9, v3;
	v9 =	vmul.f32 v2, v17;
	v17 =	vld.idx.msk [tilespmem:v20+s25+$0x20 ss:$0x1], $0xffff  }
0x221: {  	v57 =	vmovc v22;
	v38 =	vmul.f32 v10, v22;
	v22 =	vmov v30;
	v4 =	vadd.f32 v7, v4;
	v30 =	vld [tilespmem:$0x1FCA0]  }
0x222: {  	[tilespmem:v20+s28+$0x40 ss:$0x1] =	vst.idx.msk $0xffff, v14;
	v1 =	vmul.f32 v3, v1;
	v7 =	vperm.xlane v6, v54;
	v54 =	vld [tilespmem:$0x1FCF0]  }
0x223: {  	v12 =	vmul.f32 v2, v12;
	[tilespmem:v20+s28+$0x50 ss:$0x1] =	vst.idx.msk $0xffff, v25;
	v60 =	vmul.f32 $7.812500000e-03, v4;
	v4 =	vld.idx.msk [tilespmem:v20+s25+$0x10 ss:$0x1], $0xffff  }
0x224: {  	v47 =	vadd.f32 v56, v48;
	v56 =	vmov v23;
	[tilespmem:v20+s28+$0x60 ss:$0x1] =	vst.idx.msk $0xffff, v34;
	v34 =	vld [tilespmem:$0x1FCB0]  }
0x225: {  	v1 =	vmul.f32 v1, v3;
	v45 =	vadd.f32 v5, v12;
	v59 =	vadd.f32 v38, v23;
	v23 =	vld.idx.msk [tilespmem:v20+s25+$0x30 ss:$0x1], $0xffff  }
0x226: {  	v9 =	vadd.f32 v5, v9;
	v38 =	vsub.f32 $0.0e+00, v39;
	v39 =	vld [tilespmem:$0x1FCC0]  }
0x227: {  	v6 =	vadd.f32 v7, v6;
	v1 =	vsub.f32 $1.500000000e+00, v1;
	v55 =	vmul.f32 v45, v61;
	v45 =	vld [tilespmem:$0x1FCE0]  }
0x228: {  	v25 =	vmov v32;
	v9 =	vmul.f32 v9, v32;
	v32 =	vld [tilespmem:s12+$0x1C50]  }
0x229: {  	v21 =	vmovc v31;
	v37 =	vmov v48;
	v6 =	vmul.f32 $7.812500000e-03, v6;
	v14 =	vmul.f32 v1, v3;
	v3 =	vld [tilespmem:s12+$0x1C20]  }
0x22a: {  	v48 =	vadd.f32 v55, v31;
	v7 =	vmul.f32 v2, v30;
	v31 =	vmul.f32 v60, v60;
	v30 =	vld.idx.msk [tilespmem:v20+s25+$0x40 ss:$0x1], $0xffff  }
0x22b: {  	[tilespmem:v20+s29+$0x0 ss:$0x1] =	vst.idx.msk $0xffff, v54;
	v54 =	vld [tilespmem:$0x1FD30]  }
0x22c: {  	v9 =	vadd.f32 v9, v49;
	v62 =	vmul.f32 v14, v38;
	v6 =	vsub.f32 v6, v31;
	v31 =	vld [tilespmem:s12+$0x1C40]  }
0x22d: {  	v2 =	vmul.f32 v2, v34;
	v1 =	vmul.f32 v14, v39;
	v34 =	vld [tilespmem:$0x1FD00]  }
0x22e: {  	v7 =	vadd.f32 v5, v7;
	[tilespmem:$0x1FDD0] =	vst v9;
	v9 =	vmul.f32 v14, v44;
	v39 =	vmul.f32 v14, v46;
	v46 =	vld [tilespmem:$0x1FD20]  }
0x22f: {  	[tilespmem:v20+s28+$0x70 ss:$0x1] =	vst.idx.msk $0xffff, v45;
	v45 =	vld [tilespmem:s12+$0x1C70];
	v2 =	vadd.f32 v5, v2;
	v6 =	vadd.f32 $9.999999740e-06, v6  }
0x230: {  	v5 =	vld [tilespmem:s12+$0x1C30];
	v7 =	vmul.f32 v7, v36;
	v1 =	vadd.f32 v62, v1;
	v12 =	vadd.f32 v62, v9  }
0x231: {  	v2 =	vmul.f32 v2, v18;
	v18 =	vshra.s32 v6, $0x1;
	v10 =	vmul.f32 $5.000000000e-01, v6;
	v6 =	vld.idx.msk [tilespmem:v20+s25+$0x50 ss:$0x1], $0xffff  }
0x232: {  	[tilespmem:v20+s1+$0x0 ss:$0x1] =	vst.idx.msk $0xffff, v47;
	v7 =	vadd.f32 v7, v19;
	v1 =	vmul.f32 v1, v40;
	v40 =	vld [tilespmem:s12+$0x1C60]  }
0x233: {  	[tilespmem:v20+s1+$0x10 ss:$0x1] =	vst.idx.msk $0xffff, v41;
	v55 =	vmul.f32 v12, v43;
	v2 =	vadd.f32 v2, v33;
	v33 =	vld.idx.msk [tilespmem:v20+s25+$0x60 ss:$0x1], $0xffff  }
0x234: {  	[tilespmem:$0x1FDE0] =	vst v7;
	v7 =	vsub.s32 $0x5F3759DF, v18;
	v18 =	vadd.f32 v1, v37;
	v37 =	vld [tilespmem:$0x1FD10]  }
0x235: {  	[tilespmem:v20+s1+$0x20 ss:$0x1] =	vst.idx.msk $0xffff, v59;
	v12 =	vadd.f32 v55, v29;
	v55 =	vld [tilespmem:$0x1FD40]  }
0x236: {  	[tilespmem:v20+s1+$0x30 ss:$0x1] =	vst.idx.msk $0xffff, v50;
	v9 =	vmov v19;
	v29 =	vld [tilespmem:$0x1FD50];
	v19 =	vmul.f32 v7, v10  }
0x237: {  	v1 =	vmul.f32 v14, v34;
	v34 =	vld [tilespmem:$0x1FD60];
	[tilespmem:$0x1FDF0] =	vst v2;
	v2 =	vadd.f32 v62, v39;
	v39 =	vadd.f32 v8, v4  }
0x238: {  	v43 =	vld.idx.msk [tilespmem:v20+s25+$0x70 ss:$0x1], $0xffff;
	[tilespmem:v20+s29+$0x10 ss:$0x1] =	vst.idx.msk $0xffff, v46;
	v19 =	vmul.f32 v7, v19  }
0x239: {  	v47 =	vld [tilespmem:$0x1FFD0];
	s28 =	sor.u32 $0xD, s24;
	[tilespmem:v20+s29+$0x20 ss:$0x1] =	vst.idx.msk $0xffff, v54;
	v32 =	vadd.f32 v32, v6;
	v8 =	vmul.f32 v39, v39  }
0x23a: {  	v59 =	vld [tilespmem:$0x1FFD0];
	s31 =	sadd.s32 s23, s28;
	s2 =	sshll.u32 s28, $0x7;
	s28 =	sor.u32 $0xE, s24;
	v38 =	vmul.f32 v14, v37;
	v46 =	vsub.f32 $1.500000000e+00, v19;
	[tilespmem:v20+s29+$0x30 ss:$0x1] =	vst.idx.msk $0xffff, v55;
	v19 =	vadd.f32 v3, v17  }
0x23b: {  	v24 =	vmov v11;
	s26 =	sand.u32 $0x3FFFFF80, s2;
	s2 =	sshll.u32 s28, $0x7;
	s12 =	sshll.u32 s31, $0x9;
	v37 =	vld [tilespmem:$0x1FD70];
	v33 =	vadd.f32 v40, v33;
	[tilespmem:v20+s29+$0x40 ss:$0x1] =	vst.idx.msk $0xffff, v29;
	v29 =	vadd.f32 v5, v23  }
0x23c: {  	p0 =	slt.u32 s31, $0xC8;
	v11 =	vld.idx.msk [tilespmem:v20+s26+$0x10 ss:$0x1], $0xffff;
	s31 =	sand.u32 $0x3FFFFF80, s2;
	s4 =	sadd.s32 $0xFFFE7000, s12;
	v44 =	vadd.f32 v62, v38;
	v38 =	vadd.f32 v16, v15;
	[tilespmem:v20+s29+$0x50 ss:$0x1] =	vst.idx.msk $0xffff, v34  }
0x23d: {  	v50 =	vld.idx.msk [tilespmem:v20+s31+$0x40 ss:$0x1], $0xffff;
	s4 =	smov.u32 @p0 s12;
	v34 =	vadd.f32 v31, v30;
	v30 =	vadd.f32 v45, v43;
	v16 =	vmul.f32 v19, v19  }
0x23e: {  	v54 =	vld.idx.msk [tilespmem:v20+s26+$0x20 ss:$0x1], $0xffff;
	s12 =	sshra.s32 s4, $0x2;
	v15 =	vadd.f32 v29, v19;
	v17 =	vmul.f32 v29, v29;
	v5 =	vadd.f32 v39, v38  }
0x23f: {  	v4 =	vld [tilespmem:s12+$0x1C00];
	v45 =	vmul.f32 v38, v38;
	v31 =	vadd.f32 v32, v34;
	v40 =	vmul.f32 v34, v34  }
0x240: {  	v3 =	vld.idx.msk [tilespmem:v20+s26+$0x0 ss:$0x1], $0xffff;
	[tilespmem:v20+s29+$0x60 ss:$0x1] =	vst.idx.msk $0xffff, v37;
	v37 =	vmul.f32 v32, v32;
	v16 =	vadd.f32 v17, v16  }
0x241: {  	v23 =	vld [tilespmem:s12+$0x1C10];
	v6 =	vadd.f32 v8, v45;
	v8 =	vmul.f32 v33, v33;
	v45 =	vmul.f32 v30, v30  }
0x242: {  	v17 =	vld.idx.msk [tilespmem:v20+s26+$0x30 ss:$0x1], $0xffff;
	[tilespmem:v20+s29+$0x70 ss:$0x1] =	vst.idx.msk $0xffff, v13;
	v13 =	vadd.f32 v30, v33;
	v43 =	vadd.f32 v15, v5  }
0x243: {  	v5 =	vld.idx.msk [tilespmem:v20+s26+$0x50 ss:$0x1], $0xffff;
	v37 =	vadd.f32 v37, v40;
	v8 =	vadd.f32 v45, v8  }
0x244: {  	v1 =	vadd.f32 v62, v1;
	v40 =	vld [tilespmem:s12+$0x1C30];
	v45 =	vadd.f32 v13, v31  }
0x245: {  	v31 =	vld.idx.msk [tilespmem:v20+s26+$0x40 ss:$0x1], $0xffff;
	v13 =	vmul.f32 v44, v22;
	v8 =	vadd.f32 v8, v37;
	v37 =	vmul.f32 v2, v61  }
0x246: {  	v6 =	vadd.f32 v16, v6;
	v0 =	vadd.f32 v45, v43;
	v61 =	vld [tilespmem:$0x1FD80]  }
0x247: {  	v1 =	vmul.f32 v1, v57;
	v45 =	vadd.f32 v13, v24;
	v13 =	vadd.f32 v37, v21;
	v21 =	vld [tilespmem:$0x1FD90]  }
0x248: {  	[tilespmem:v20+s3+$0x30 ss:$0x1] =	vst.idx.msk $0xffff, v42;
	v16 =	vld [tilespmem:s12+$0x1C40];
	v2 =	vadd.f32 v8, v6  }
0x249: {  	[tilespmem:v20+s3+$0x40 ss:$0x1] =	vst.idx.msk $0xffff, v35;
	v7 =	vmul.f32 v7, v46;
	v15 =	vadd.f32 v1, v56;
	v6 =	vld [tilespmem:s12+$0x1C50]  }
0x24a: {  	v55 =	vld [tilespmem:s12+$0x1C20];
	v35 =	vadd.f32 v23, v11;
	v22 =	vmovc v24;
	v43 =	vadd.f32 v4, v3;
	v24 =	vperm.xlane v2, v58  }
0x24b: {  	v56 =	vmul.f32 v7, v10;
	v17 =	vadd.f32 v40, v17;
	v1 =	vmul.f32 v14, v61;
	v61 =	vld.idx.msk [tilespmem:v20+s26+$0x70 ss:$0x1], $0xffff  }
0x24c: {  	v4 =	vadd.f32 v35, v43;
	v2 =	vadd.f32 v2, v24;
	v24 =	vld [tilespmem:s12+$0x1C70];
	v37 =	vmul.f32 v14, v21  }
0x24d: {  	v46 =	vld [tilespmem:s12+$0x1C60];
	v57 =	vperm.xlane v0, v58;
	v31 =	vadd.f32 v16, v31;
	v1 =	vadd.f32 v62, v1  }
0x24e: {  	v8 =	vmul.f32 v56, v7;
	v21 =	vadd.f32 v6, v5;
	v42 =	vadd.f32 v62, v37;
	v37 =	vld [tilespmem:$0x1FDB0]  }
0x24f: {  	v44 =	vld.idx.msk [tilespmem:v20+s26+$0x60 ss:$0x1], $0xffff;
	v56 =	vadd.f32 v0, v57;
	v5 =	vmul.f32 v43, v43;
	v6 =	vmul.f32 v35, v35  }
0x250: {  	s29 =	sadd.s32 s23, s28;
	v3 =	vld [tilespmem:$0x1FFF0];
	v8 =	vsub.f32 $1.500000000e+00, v8;
	[tilespmem:$0x1FE40] =	vst v17;
	v57 =	vmul.f32 v21, v21;
	v1 =	vmul.f32 v1, v25  }
0x251: {  	s4 =	sshll.u32 s29, $0x9;
	v5 =	vadd.f32 v6, v5;
	v6 =	vld.idx.msk [tilespmem:v20+s31+$0x0 ss:$0x1], $0xffff;
	v61 =	vadd.f32 v24, v61;
	v24 =	vmul.f32 v31, v31  }
0x252: {  	p0 =	slt.u32 s29, $0xC8;
	s12 =	sadd.s32 $0xFFFE7000, s4;
	v7 =	vmul.f32 v8, v7;
	[tilespmem:$0x1FE50] =	vst v21;
	v23 =	vadd.f32 v21, v31;
	v21 =	vld [tilespmem:$0x1FDC0];
	v16 =	vadd.f32 v1, v49  }
0x253: {  	s12 =	smov.u32 @p0 s4;
	v25 =	vld [tilespmem:$0x1FFE0];
	v24 =	vadd.f32 v57, v24;
	[tilespmem:v20+s3+$0x50 ss:$0x1] =	vst.idx.msk $0xffff, v37;
	v37 =	vadd.f32 v55, v54  }
0x254: {  	s12 =	sshra.s32 s12, $0x2;
	v57 =	vld [tilespmem:$0x1FFE0];
	v55 =	vadd.f32 v46, v44;
	[tilespmem:v20+s3+$0x60 ss:$0x1] =	vst.idx.msk $0xffff, v53;
	v53 =	vmul.f32 v7, v10  }
0x255: {  	v10 =	vld [tilespmem:s12+$0x1C10];
	[tilespmem:v20+s3+$0x70 ss:$0x1] =	vst.idx.msk $0xffff, v63;
	v11 =	vadd.f32 v17, v37;
	v63 =	vmul.f32 v37, v37  }
0x256: {  	[tilespmem:$0x1FE60] =	vst v55;
	v17 =	vmul.f32 v17, v17;
	v44 =	vadd.f32 v61, v55;
	v46 =	vmul.f32 v55, v55;
	v55 =	vld [tilespmem:$0x1FFE0]  }
0x257: {  	[tilespmem:$0x1FE70] =	vst v61;
	v61 =	vmul.f32 v61, v61;
	v1 =	vmul.f32 v53, v7;
	v53 =	vld.idx.msk [tilespmem:v20+s31+$0x30 ss:$0x1], $0xffff  }
0x258: {  	v4 =	vadd.f32 v11, v4;
	v40 =	vadd.f32 v44, v23;
	v23 =	vld [tilespmem:$0x1FFD0]  }
0x259: {  	v63 =	vadd.f32 v17, v63;
	v28 =	vadd.f32 v61, v46;
	v61 =	vld [tilespmem:$0x1FFF0]  }
0x25a: {  	v1 =	vsub.f32 $1.500000000e+00, v1;
	v4 =	vadd.f32 v40, v4;
	v40 =	vld.idx.msk [tilespmem:v20+s31+$0x10 ss:$0x1], $0xffff  }
0x25b: {  	v41 =	vadd.f32 v28, v24;
	v28 =	vld.idx.msk [tilespmem:v20+s31+$0x20 ss:$0x1], $0xffff  }
0x25c: {  	v14 =	vmul.f32 v14, v21;
	v5 =	vadd.f32 v63, v5;
	v63 =	vld [tilespmem:$0x1FFD0];
	v1 =	vmul.f32 v1, v7  }
0x25d: {  	[tilespmem:v20+s1+$0x40 ss:$0x1] =	vst.idx.msk $0xffff, v48;
	v11 =	vperm.xlane v2, v47;
	v24 =	vld [tilespmem:$0x1FFE0];
	v23 =	vperm.xlane v56, v23  }
0x25e: {  	[tilespmem:v20+s5+$0x0 ss:$0x1] =	vst.idx.msk $0xffff, v18;
	v0 =	vsub.f32 $0.0e+00, v60;
	v54 =	vperm.xlane v4, v58;
	v47 =	vmul.f32 v1, v51;
	v51 =	vld [tilespmem:s12+$0x1C50]  }
0x25f: {  	v44 =	vmul.f32 v42, v36;
	v36 =	vmul.f32 v1, v27;
	v27 =	vld [tilespmem:s12+$0x1C70];
	v46 =	vadd.f32 v56, v23  }
0x260: {  	v5 =	vadd.f32 v41, v5;
	v4 =	vadd.f32 v4, v54;
	v54 =	vmul.f32 v1, v0;
	v23 =	vld [tilespmem:s12+$0x1C00]  }
0x261: {  	v2 =	vadd.f32 v2, v11;
	v10 =	vadd.f32 v10, v40;
	v40 =	vld [tilespmem:$0x1FDE0];
	v11 =	vperm.xlane v46, v55  }
0x262: {  	v14 =	vadd.f32 v62, v14;
	v56 =	vperm.xlane v5, v58;
	v62 =	vadd.f32 v54, v36;
	v36 =	vld [tilespmem:$0x1FDD0]  }
0x263: {  	v42 =	vperm.xlane v4, v59;
	v55 =	vld [tilespmem:s12+$0x1C40];
	v8 =	vadd.f32 v46, v11;
	v11 =	vperm.xlane v2, v57  }
0x264: {  	[tilespmem:v20+s5+$0x10 ss:$0x1] =	vst.idx.msk $0xffff, v12;
	v5 =	vadd.f32 v5, v56;
	v56 =	vld.idx.msk [tilespmem:v20+s31+$0x50 ss:$0x1], $0xffff  }
0x265: {  	v4 =	vadd.f32 v4, v42;
	v42 =	vld [tilespmem:s12+$0x1C30];
	v2 =	vadd.f32 v2, v11;
	v11 =	vperm.xlane v8, v61  }
0x266: {  	[tilespmem:v20+s5+$0x20 ss:$0x1] =	vst.idx.msk $0xffff, v15;
	v17 =	vadd.f32 v44, v9;
	v46 =	vld [tilespmem:s12+$0x1C20];
	v44 =	vperm.xlane v5, v63  }
0x267: {  	v63 =	vmul.f32 v1, v52;
	v8 =	vadd.f32 v11, v8;
	v11 =	vperm.xlane v2, v3;
	v3 =	vld [tilespmem:$0x1FFF0]  }
0x268: {  	v41 =	vadd.f32 v54, v47;
	v57 =	vld.idx.msk [tilespmem:v20+s31+$0x60 ss:$0x1], $0xffff;
	v7 =	vperm.xlane v4, v24;
	v5 =	vadd.f32 v5, v44  }
0x269: {  	[tilespmem:v20+s5+$0x30 ss:$0x1] =	vst.idx.msk $0xffff, v45;
	v24 =	vld [tilespmem:$0x1FFF0];
	v48 =	vadd.f32 v54, v63;
	v2 =	vadd.f32 v11, v2;
	v44 =	vmul.f32 $7.812500000e-03, v8  }
0x26a: {  	s28 =	sor.u32 $0xF, s24;
	[tilespmem:v20+s1+$0x50 ss:$0x1] =	vst.idx.msk $0xffff, v36;
	v4 =	vadd.f32 v4, v7;
	v8 =	vperm.xlane v5, v25;
	v25 =	vld.idx.msk [tilespmem:v20+s31+$0x70 ss:$0x1], $0xffff  }
0x26b: {  	s29 =	sadd.s32 s23, s28;
	v52 =	vld [tilespmem:s12+$0x1C60];
	[tilespmem:v20+s1+$0x60 ss:$0x1] =	vst.idx.msk $0xffff, v40;
	v56 =	vadd.f32 v51, v56;
	v2 =	vmul.f32 $7.812500000e-03, v2;
	v49 =	vmul.f32 v44, v44  }
0x26c: {  	s4 =	sshll.u32 s29, $0x9;
	v5 =	vadd.f32 v5, v8;
	v8 =	vadd.f32 v42, v53;
	v53 =	vld [tilespmem:$0x1FDF0];
	v11 =	vperm.xlane v4, v3  }
0x26d: {  	p0 =	slt.u32 s29, $0xC8;
	s2 =	sadd.s32 $0xFFFE7000, s4;
	v9 =	vadd.f32 v46, v28;
	v51 =	vmul.f32 v56, v56;
	v2 =	vsub.f32 v2, v49  }
0x26e: {  	s2 =	smov.u32 @p0 s4;
	v7 =	vperm.xlane v5, v24;
	v60 =	vadd.f32 v11, v4;
	v11 =	vadd.f32 v23, v6  }
0x26f: {  	s2 =	sshra.s32 s2, $0x2;
	v24 =	vmul.f32 v10, v10;
	v6 =	vadd.f32 v55, v50;
	v36 =	vadd.f32 v27, v25  }
0x270: {  	v45 =	vld [tilespmem:s2+$0x1C10];
	v59 =	vmul.f32 v8, v8;
	v25 =	vadd.f32 v8, v9;
	v47 =	vadd.f32 v7, v5  }
0x271: {  	v2 =	vadd.f32 $9.999999740e-06, v2;
	v7 =	vld [tilespmem:$0x1FF40];
	v5 =	vadd.f32 v52, v57;
	v57 =	vmul.f32 v9, v9;
	[tilespmem:v20+s1+$0x70 ss:$0x1] =	vst.idx.msk $0xffff, v53  }
0x272: {  	v0 =	vld [tilespmem:$0x1FF60];
	v18 =	vadd.f32 v10, v11;
	v63 =	vadd.f32 v56, v6;
	v3 =	vmul.f32 v36, v36  }
0x273: {  	v46 =	vld [tilespmem:s2+$0x1C20];
	[tilespmem:$0x1FEA0] =	vst v36;
	s1 =	sshll.u32 s28, $0x7;
	v49 =	vshra.s32 v2, $0x1;
	v2 =	vmul.f32 $5.000000000e-01, v2;
	v52 =	vmul.f32 v5, v5  }
0x274: {  	v27 =	vadd.f32 v36, v5;
	v15 =	vmul.f32 $7.812500000e-03, v47;
	v47 =	vld [tilespmem:s2+$0x1C50];
	s1 =	sand.u32 $0x3FFFFF80, s1;
	v23 =	vsub.s32 $0x5F3759DF, v49  }
0x275: {  	v18 =	vadd.f32 v25, v18;
	v25 =	vld.idx.msk [tilespmem:v20+s1+$0x0 ss:$0x1], $0xffff;
	v4 =	vmul.f32 v23, v2;
	v36 =	vadd.f32 v3, v52  }
0x276: {  	v49 =	vadd.f32 v27, v63;
	v52 =	vld [tilespmem:$0x1FE00];
	v61 =	vmul.f32 v14, v7;
	v14 =	vmul.f32 v11, v11  }
0x277: {  	[tilespmem:$0x1FE80] =	vst v56;
	v50 =	vmul.f32 v6, v6;
	v42 =	vadd.f32 v59, v57;
	v63 =	vld [tilespmem:$0x1FE10];
	v56 =	vmul.f32 v23, v4  }
0x278: {  	v3 =	vld [tilespmem:$0x1FF70];
	v18 =	vadd.f32 v49, v18;
	v28 =	vadd.f32 v24, v14  }
0x279: {  	v12 =	vadd.f32 v51, v50;
	v57 =	vsub.f32 $1.500000000e+00, v56;
	v56 =	vld [tilespmem:$0x1FFD0]  }
0x27a: {  	v14 =	vmul.f32 $7.812500000e-03, v60;
	v59 =	vperm.xlane v18, v58;
	v28 =	vadd.f32 v42, v28;
	v42 =	vld [tilespmem:s2+$0x1C30]  }
0x27b: {  	v12 =	vadd.f32 v36, v12;
	v53 =	vmul.f32 v1, v52;
	v52 =	vld [tilespmem:s2+$0x1C70]  }
0x27c: {  	v51 =	vmul.f32 v14, v14;
	v18 =	vadd.f32 v18, v59;
	v59 =	vld [tilespmem:$0x1FFD0]  }
0x27d: {  	v4 =	vmul.f32 v1, v63;
	v23 =	vmul.f32 v23, v57;
	v12 =	vadd.f32 v12, v28;
	v28 =	vld [tilespmem:s2+$0x1C00]  }
0x27e: {  	v15 =	vsub.f32 v15, v51;
	v51 =	vld [tilespmem:s2+$0x1C60]  }
0x27f: {  	[tilespmem:v20+s5+$0x40 ss:$0x1] =	vst.idx.msk $0xffff, v13;
	v49 =	vadd.f32 v54, v4;
	v4 =	vld [tilespmem:$0x1FE30];
	v36 =	vmul.f32 v23, v2  }
0x280: {  	[tilespmem:v20+s5+$0x50 ss:$0x1] =	vst.idx.msk $0xffff, v16;
	v15 =	vadd.f32 $9.999999740e-06, v15;
	v27 =	vperm.xlane v18, v56;
	v56 =	vld.idx.msk [tilespmem:v20+s1+$0x40 ss:$0x1], $0xffff  }
0x281: {  	[tilespmem:v20+s5+$0x60 ss:$0x1] =	vst.idx.msk $0xffff, v17;
	v60 =	vperm.xlane v12, v58;
	v17 =	vmul.f32 v36, v23;
	v36 =	vld [tilespmem:$0x1FFE0]  }
0x282: {  	[tilespmem:$0x1FE90] =	vst v5;
	v5 =	vshra.s32 v15, $0x1;
	v16 =	vmul.f32 $5.000000000e-01, v15;
	v15 =	vld [tilespmem:s2+$0x1C40]  }
0x283: {  	v26 =	vmul.f32 v1, v26;
	v12 =	vadd.f32 v12, v60;
	v60 =	vld [tilespmem:$0x1FE20]  }
0x284: {  	v18 =	vadd.f32 v18, v27;
	v27 =	vld.idx.msk [tilespmem:v20+s1+$0x10 ss:$0x1], $0xffff  }
0x285: {  	v13 =	vadd.f32 v54, v26;
	v26 =	vsub.s32 $0x5F3759DF, v5;
	v5 =	vld [tilespmem:$0x1FFE0];
	v50 =	vperm.xlane v12, v59  }
0x286: {  	v57 =	vmul.f32 v26, v16;
	v59 =	vld [tilespmem:$0x1FFA0]  }
0x287: {  	v12 =	vadd.f32 v12, v50;
	v50 =	vld [tilespmem:$0x1FF20]  }
0x288: {  	v40 =	vadd.f32 v54, v53;
	v21 =	vmul.f32 v26, v57;
	v57 =	vld [tilespmem:$0x1FFB0]  }
0x289: {  	v17 =	vsub.f32 $1.500000000e+00, v17;
	v63 =	vmul.f32 v1, v60;
	v60 =	vld [tilespmem:$0x1FF90];
	v53 =	vperm.xlane v12, v36  }
0x28a: {  	v27 =	vadd.f32 v45, v27;
	v45 =	vld.idx.msk [tilespmem:v20+s1+$0x60 ss:$0x1], $0xffff  }
0x28b: {  	v17 =	vmul.f32 v17, v23;
	v21 =	vsub.f32 $1.500000000e+00, v21;
	v53 =	vadd.f32 v12, v53;
	v12 =	vld [tilespmem:$0x1FF50]  }
0x28c: {  	v23 =	vmul.f32 v62, v3;
	v1 =	vmul.f32 v1, v4;
	v4 =	vld [tilespmem:$0x1FEF0]  }
0x28d: {  	v2 =	vmul.f32 v17, v2;
	v55 =	vmul.f32 v26, v21;
	v26 =	vadd.f32 v28, v25;
	v28 =	vld.idx.msk [tilespmem:v20+s1+$0x50 ss:$0x1], $0xffff  }
0x28e: {  	v24 =	vperm.xlane v18, v5;
	v63 =	vadd.f32 v54, v63;
	v1 =	vadd.f32 v54, v1;
	v54 =	vld.idx.msk [tilespmem:v20+s1+$0x20 ss:$0x1], $0xffff  }
0x28f: {  	v36 =	vld [tilespmem:$0x1FF80];
	v40 =	vmul.f32 v40, v59  }
0x290: {  	v2 =	vmul.f32 v2, v17;
	v18 =	vadd.f32 v18, v24;
	v24 =	vld.idx.msk [tilespmem:v20+s1+$0x30 ss:$0x1], $0xffff;
	v23 =	vadd.f32 v23, v12  }
0x291: {  	v25 =	vadd.f32 v15, v56;
	v21 =	vadd.f32 v61, v50;
	v13 =	vmul.f32 v13, v57;
	v61 =	vld [tilespmem:$0x1FED0]  }
0x292: {  	v40 =	vadd.f32 v40, v22;
	[tilespmem:v20+s30+$0x0 ss:$0x1] =	vst.idx.msk $0xffff, v23;
	v23 =	vadd.f32 v47, v28;
	v47 =	vld [tilespmem:$0x1FFF0]  }
0x293: {  	v2 =	vsub.f32 $1.500000000e+00, v2;
	v1 =	vmul.f32 v1, v7;
	v5 =	vadd.f32 v46, v54;
	v46 =	vld.idx.msk [tilespmem:v20+s1+$0x70 ss:$0x1], $0xffff  }
0x294: {  	v41 =	vmul.f32 v41, v36;
	v54 =	vadd.f32 v13, v4;
	v13 =	vmul.f32 v55, v16  }
0x295: {  	v44 =	vsub.f32 $0.0e+00, v44;
	v48 =	vmul.f32 v48, v60;
	[tilespmem:v20+s5+$0x70 ss:$0x1] =	vst.idx.msk $0xffff, v21;
	v21 =	vadd.f32 v51, v45  }
0x296: {  	v2 =	vmul.f32 v2, v17;
	v41 =	vadd.f32 v41, v0;
	v24 =	vadd.f32 v42, v24  }
0x297: {  	v48 =	vadd.f32 v48, v61;
	v15 =	vmul.f32 v13, v55;
	[tilespmem:$0x1FEB0] =	vst v5;
	v28 =	vperm.xlane v18, v47  }
0x298: {  	v42 =	vadd.f32 v24, v5;
	[tilespmem:v20+s30+$0x10 ss:$0x1] =	vst.idx.msk $0xffff, v41;
	v13 =	vmov v5;
	v5 =	vld [tilespmem:$0x1FFC0];
	v51 =	vadd.f32 v52, v46  }
0x299: {  	v44 =	vmul.f32 v2, v44;
	[tilespmem:v20+s30+$0x20 ss:$0x1] =	vst.idx.msk $0xffff, v48;
	v48 =	vsub.f32 $1.500000000e+00, v15;
	v15 =	vadd.f32 v28, v18;
	v18 =	vld [tilespmem:$0x1FFF0]  }
0x29a: {  	v38 =	vmul.f32 v2, v38;
	v39 =	vmul.f32 v2, v39;
	v52 =	vadd.f32 v27, v26  }
0x29b: {  	v19 =	vmul.f32 v2, v19;
	v56 =	vadd.f32 v23, v25;
	v62 =	vadd.f32 v51, v21  }
0x29c: {  	v1 =	vadd.f32 v1, v50;
	v34 =	vmul.f32 v2, v34;
	v32 =	vmul.f32 v2, v32  }
0x29d: {  	v45 =	vmul.f32 v49, v5;
	v49 =	vadd.f32 v42, v52;
	v52 =	vadd.f32 v62, v56  }
0x29e: {  	v38 =	vadd.f32 v44, v38;
	v39 =	vadd.f32 v44, v39;
	v18 =	vperm.xlane v53, v18  }
0x29f: {  	v62 =	vmul.f32 v13, v13;
	v17 =	vadd.f32 v52, v49;
	v49 =	vmul.f32 v24, v24  }
0x2a0: {  	v56 =	vmul.f32 v27, v27;
	v18 =	vadd.f32 v18, v53;
	v53 =	vmul.f32 v26, v26  }
0x2a1: {  	v46 =	vmul.f32 v21, v21;
	v52 =	vmul.f32 v25, v25;
	v28 =	vadd.f32 v49, v62  }
0x2a2: {  	v62 =	vld [tilespmem:$0x1FF00];
	v41 =	vadd.f32 v56, v53;
	v53 =	vmul.f32 v23, v23;
	v56 =	vmul.f32 v51, v51  }
0x2a3: {  	v33 =	vmul.f32 v2, v33;
	v19 =	vadd.f32 v44, v19;
	v38 =	vmul.f32 v38, v3  }
0x2a4: {  	v39 =	vmul.f32 v39, v36;
	v52 =	vadd.f32 v53, v52;
	v46 =	vadd.f32 v56, v46  }
0x2a5: {  	v19 =	vmul.f32 v19, v60;
	[tilespmem:v20+s30+$0x30 ss:$0x1] =	vst.idx.msk $0xffff, v40;
	v38 =	vadd.f32 v38, v12;
	v47 =	vld [tilespmem:$0x1FF30]  }
0x2a6: {  	[tilespmem:v20+s30+$0x40 ss:$0x1] =	vst.idx.msk $0xffff, v54;
	v28 =	vadd.f32 v28, v41;
	v40 =	vadd.f32 v46, v52  }
0x2a7: {  	v39 =	vadd.f32 v39, v0;
	[tilespmem:v20+s25+$0x0 ss:$0x1] =	vst.idx.msk $0xffff, v38;
	v53 =	vadd.f32 v45, v62;
	v46 =	vld [tilespmem:$0x1FFD0]  }
0x2a8: {  	v45 =	vmul.f32 v48, v55;
	v48 =	vperm.xlane v17, v58;
	v28 =	vadd.f32 v40, v28  }
0x2a9: {  	v34 =	vadd.f32 v44, v34;
	v19 =	vadd.f32 v19, v61;
	[tilespmem:v20+s25+$0x10 ss:$0x1] =	vst.idx.msk $0xffff, v39;
	v15 =	vmul.f32 $7.812500000e-03, v15  }
0x2aa: {  	[tilespmem:$0x1FEC0] =	vst v51;
	v56 =	vmul.f32 v63, v47;
	v63 =	vld [tilespmem:$0x1FF10];
	v17 =	vadd.f32 v17, v48;
	v49 =	vperm.xlane v28, v58  }
0x2ab: {  	v13 =	vld [tilespmem:$0x1FFE0];
	[tilespmem:v20+s25+$0x20 ss:$0x1] =	vst.idx.msk $0xffff, v19;
	v19 =	vadd.f32 v44, v32;
	v18 =	vmul.f32 $7.812500000e-03, v18;
	v55 =	vmul.f32 v15, v15  }
0x2ac: {  	v14 =	vsub.f32 $0.0e+00, v14;
	[tilespmem:v20+s30+$0x50 ss:$0x1] =	vst.idx.msk $0xffff, v53;
	v51 =	vperm.xlane v17, v46;
	v28 =	vadd.f32 v28, v49  }
0x2ad: {  	v18 =	vsub.f32 v18, v55;
	v53 =	vmul.f32 v2, v29;
	v16 =	vmul.f32 v45, v16  }
0x2ae: {  	v2 =	vmul.f32 v2, v30;
	v17 =	vadd.f32 v17, v51;
	v54 =	vperm.xlane v28, v46  }
0x2af: {  	v52 =	vmovc v36;
	v36 =	vadd.f32 v44, v53;
	v16 =	vmul.f32 v16, v45;
	v40 =	vld [tilespmem:$0x1FFF0];
	v41 =	vadd.f32 v56, v63  }
0x2b0: {  	v42 =	vmovc v58;
	v2 =	vadd.f32 v44, v2;
	v55 =	vperm.xlane v17, v13;
	v28 =	vadd.f32 v28, v54  }
0x2b1: {  	v38 =	vld [tilespmem:$0x1FFF0];
	v18 =	vadd.f32 $9.999999740e-06, v18;
	v58 =	vmovc v60;
	v16 =	vsub.f32 $1.500000000e+00, v16;
	v60 =	vmul.f32 v36, v59;
	[tilespmem:v20+s30+$0x60 ss:$0x1] =	vst.idx.msk $0xffff, v41  }
0x2b2: {  	v41 =	vmul.f32 v34, v57;
	v17 =	vadd.f32 v17, v55;
	v56 =	vperm.xlane v28, v13  }
0x2b3: {  	v16 =	vmul.f32 v16, v45;
	v45 =	vshra.s32 v18, $0x1;
	v18 =	vmul.f32 $5.000000000e-01, v18  }
0x2b4: {  	v34 =	vsub.s32 $0x5F3759DF, v45;
	v36 =	vperm.xlane v17, v40;
	v28 =	vadd.f32 v28, v56  }
0x2b5: {  	v2 =	vmul.f32 v2, v7;
	v30 =	vadd.f32 v60, v22;
	v49 =	vmul.f32 v34, v18  }
0x2b6: {  	v14 =	vmul.f32 v16, v14;
	v17 =	vadd.f32 v36, v17;
	v48 =	vperm.xlane v28, v38  }
0x2b7: {  	v51 =	vadd.f32 v44, v33;
	v53 =	vmul.f32 v16, v43;
	v44 =	vmul.f32 v16, v37  }
0x2b8: {  	[tilespmem:v20+s30+$0x70 ss:$0x1] =	vst.idx.msk $0xffff, v1;
	v36 =	vmul.f32 v34, v49;
	v17 =	vmul.f32 $7.812500000e-03, v17;
	v28 =	vadd.f32 v48, v28  }
0x2b9: {  	v1 =	vadd.f32 v41, v4;
	v55 =	vmul.f32 v19, v5;
	v19 =	vmul.f32 v16, v35  }
0x2ba: {  	[tilespmem:v20+s25+$0x30 ss:$0x1] =	vst.idx.msk $0xffff, v30;
	v56 =	vsub.f32 $1.500000000e+00, v36;
	v54 =	vmul.f32 v17, v17;
	v28 =	vmul.f32 $7.812500000e-03, v28  }
0x2bb: {  	[tilespmem:v20+s25+$0x40 ss:$0x1] =	vst.idx.msk $0xffff, v1;
	v60 =	vmul.f32 v51, v47;
	v36 =	vadd.f32 v14, v53  }
0x2bc: {  	v51 =	vld [tilespmem:$0x1FE40];
	v19 =	vadd.f32 v14, v19;
	v39 =	vmul.f32 v34, v56;
	v28 =	vsub.f32 v28, v54  }
0x2bd: {  	v30 =	vadd.f32 v60, v63;
	v1 =	vadd.f32 v55, v62;
	v32 =	vmul.f32 v36, v3  }
0x2be: {  	v41 =	vmul.f32 v19, v52;
	v19 =	vmul.f32 v39, v18;
	v28 =	vadd.f32 $9.999999740e-06, v28  }
0x2bf: {  	v45 =	vadd.f32 v14, v44;
	[tilespmem:v20+s25+$0x50 ss:$0x1] =	vst.idx.msk $0xffff, v1;
	v32 =	vadd.f32 v32, v12  }
0x2c0: {  	v55 =	vld [tilespmem:$0x1FE50];
	[tilespmem:v20+s25+$0x60 ss:$0x1] =	vst.idx.msk $0xffff, v30;
	v19 =	vmul.f32 v19, v39;
	v49 =	vshra.s32 v28, $0x1;
	v28 =	vmul.f32 $5.000000000e-01, v28  }
0x2c1: {  	v1 =	vadd.f32 v41, v0;
	v48 =	vmovc v0;
	v0 =	vmul.f32 v16, v51;
	v30 =	vsub.s32 $0x5F3759DF, v49  }
0x2c2: {  	v2 =	vadd.f32 v2, v50;
	[tilespmem:v20+s26+$0x0 ss:$0x1] =	vst.idx.msk $0xffff, v32;
	v32 =	vld [tilespmem:$0x1FE60];
	v19 =	vsub.f32 $1.500000000e+00, v19;
	v54 =	vmul.f32 v30, v28  }
0x2c3: {  	v31 =	vmul.f32 v16, v31;
	v53 =	vmul.f32 v45, v58;
	v0 =	vadd.f32 v14, v0  }
0x2c4: {  	[tilespmem:v20+s25+$0x70 ss:$0x1] =	vst.idx.msk $0xffff, v2;
	v36 =	vld [tilespmem:$0x1FE70];
	v19 =	vmul.f32 v19, v39;
	v2 =	vmul.f32 v30, v54  }
0x2c5: {  	v31 =	vadd.f32 v14, v31;
	v56 =	vmul.f32 v16, v55;
	v0 =	vmul.f32 v0, v59  }
0x2c6: {  	[tilespmem:v20+s26+$0x10 ss:$0x1] =	vst.idx.msk $0xffff, v1;
	v1 =	vadd.f32 v53, v61;
	v18 =	vmul.f32 v19, v18;
	v2 =	vsub.f32 $1.500000000e+00, v2  }
0x2c7: {  	v43 =	vmovc v3;
	v60 =	vadd.f32 v14, v56;
	v0 =	vadd.f32 v0, v22;
	v3 =	vmul.f32 v16, v32  }
0x2c8: {  	[tilespmem:v20+s26+$0x20 ss:$0x1] =	vst.idx.msk $0xffff, v1;
	v18 =	vmul.f32 v18, v19;
	v2 =	vmul.f32 v30, v2  }
0x2c9: {  	v15 =	vsub.f32 $0.0e+00, v15;
	[tilespmem:v20+s26+$0x30 ss:$0x1] =	vst.idx.msk $0xffff, v0;
	v0 =	vmul.f32 v16, v36;
	v3 =	vadd.f32 v14, v3  }
0x2ca: {  	v33 =	vmul.f32 v31, v57;
	v18 =	vsub.f32 $1.500000000e+00, v18;
	v35 =	vmul.f32 v2, v28  }
0x2cb: {  	v1 =	vmul.f32 v60, v5;
	v0 =	vadd.f32 v14, v0;
	v3 =	vmul.f32 v3, v47  }
0x2cc: {  	v31 =	vld [tilespmem:$0x1FE80];
	v34 =	vadd.f32 v33, v4;
	v37 =	vmul.f32 v18, v19;
	v41 =	vmul.f32 v35, v2  }
0x2cd: {  	v1 =	vadd.f32 v1, v62;
	v0 =	vmul.f32 v0, v7;
	v40 =	vadd.f32 v3, v63  }
0x2ce: {  	v36 =	vld [tilespmem:$0x1FEA0];
	[tilespmem:v20+s26+$0x40 ss:$0x1] =	vst.idx.msk $0xffff, v34;
	v14 =	vmul.f32 v37, v15;
	v11 =	vmul.f32 v37, v11;
	v3 =	vsub.f32 $1.500000000e+00, v41  }
0x2cf: {  	[tilespmem:v20+s26+$0x50 ss:$0x1] =	vst.idx.msk $0xffff, v1;
	v44 =	vmul.f32 v37, v10;
	v9 =	vmul.f32 v37, v9  }
0x2d0: {  	v0 =	vadd.f32 v0, v50;
	v49 =	vmul.f32 v37, v8;
	v2 =	vmul.f32 v3, v2  }
0x2d1: {  	[tilespmem:v20+s26+$0x60 ss:$0x1] =	vst.idx.msk $0xffff, v40;
	v10 =	vmul.f32 v37, v6;
	v32 =	vmul.f32 v37, v31  }
0x2d2: {  	v45 =	vadd.f32 v14, v11;
	v1 =	vadd.f32 v14, v44;
	v53 =	vmul.f32 v2, v28  }
0x2d3: {  	v30 =	vmovc v4;
	v4 =	vmul.f32 v37, v36;
	v9 =	vadd.f32 v14, v9;
	v29 =	vadd.f32 v14, v10  }
0x2d4: {  	v39 =	vmovc v5;
	v34 =	vld [tilespmem:$0x1FE90];
	v5 =	vadd.f32 v14, v32;
	v51 =	vmul.f32 v45, v43;
	v56 =	vmul.f32 v53, v2  }
0x2d5: {  	v15 =	vmovc v7;
	v4 =	vadd.f32 v14, v4;
	v1 =	vmul.f32 v1, v52;
	v55 =	vmul.f32 v9, v58  }
0x2d6: {  	[tilespmem:v20+s26+$0x70 ss:$0x1] =	vst.idx.msk $0xffff, v0;
	v0 =	vmul.f32 v29, v57;
	v3 =	vadd.f32 v14, v49;
	v28 =	vsub.f32 $1.500000000e+00, v56  }
0x2d7: {  	v5 =	vmul.f32 v5, v39;
	v4 =	vmul.f32 v4, v15  }
0x2d8: {  	v35 =	vsub.f32 $0.0e+00, v17;
	v3 =	vmul.f32 v3, v59;
	v33 =	vmul.f32 v28, v2  }
0x2d9: {  	v54 =	vadd.f32 v51, v12;
	v1 =	vadd.f32 v1, v48;
	v2 =	vmul.f32 v37, v34  }
0x2da: {  	v11 =	vadd.f32 v3, v22;
	v3 =	vmul.f32 v33, v35;
	v40 =	vmul.f32 v33, v27  }
0x2db: {  	v60 =	vadd.f32 v55, v61;
	[tilespmem:v20+s31+$0x0 ss:$0x1] =	vst.idx.msk $0xffff, v54;
	v2 =	vadd.f32 v14, v2  }
0x2dc: {  	v0 =	vadd.f32 v0, v30;
	[tilespmem:v20+s31+$0x10 ss:$0x1] =	vst.idx.msk $0xffff, v1;
	v7 =	vadd.f32 v3, v40  }
0x2dd: {  	v49 =	vld [tilespmem:$0x1FEB0];
	v5 =	vadd.f32 v5, v62;
	[tilespmem:v20+s31+$0x20 ss:$0x1] =	vst.idx.msk $0xffff, v60;
	v2 =	vmul.f32 v2, v47  }
0x2de: {  	[tilespmem:v20+s31+$0x30 ss:$0x1] =	vst.idx.msk $0xffff, v11;
	v44 =	vmul.f32 v7, v52;
	v52 =	vmul.f32 v33, v24  }
0x2df: {  	[tilespmem:v20+s31+$0x40 ss:$0x1] =	vst.idx.msk $0xffff, v0;
	v37 =	vmul.f32 v33, v26;
	v41 =	vadd.f32 v2, v63  }
0x2e0: {  	v4 =	vadd.f32 v4, v50;
	[tilespmem:v20+s31+$0x50 ss:$0x1] =	vst.idx.msk $0xffff, v5;
	v55 =	vadd.f32 v3, v52  }
0x2e1: {  	v56 =	vmul.f32 v33, v23;
	v6 =	vadd.f32 v3, v37;
	[tilespmem:v20+s31+$0x60 ss:$0x1] =	vst.idx.msk $0xffff, v41  }
0x2e2: {  	v2 =	vmul.f32 v33, v49;
	[tilespmem:v20+s31+$0x70 ss:$0x1] =	vst.idx.msk $0xffff, v4;
	v4 =	vmul.f32 v55, v59;
	v59 =	vld [tilespmem:$0x1FEC0]  }
0x2e3: {  	v5 =	vadd.f32 v3, v56;
	v43 =	vmul.f32 v6, v43  }
0x2e4: {  	v54 =	vmul.f32 v33, v25;
	v53 =	vadd.f32 v3, v2  }
0x2e5: {  	v5 =	vmul.f32 v5, v39;
	v45 =	vadd.f32 v43, v12  }
0x2e6: {  	v2 =	vadd.f32 v3, v54;
	v0 =	vmul.f32 v53, v58;
	v58 =	vmul.f32 v33, v21  }
0x2e7: {  	v51 =	vadd.f32 v44, v48;
	[tilespmem:v20+s1+$0x0 ss:$0x1] =	vst.idx.msk $0xffff, v45;
	v1 =	vmul.f32 v33, v59  }
0x2e8: {  	v2 =	vmul.f32 v2, v57;
	v0 =	vadd.f32 v0, v61;
	v6 =	vadd.f32 v3, v58  }
0x2e9: {  	[tilespmem:v20+s1+$0x10 ss:$0x1] =	vst.idx.msk $0xffff, v51;
	v4 =	vadd.f32 v4, v22;
	v1 =	vadd.f32 v3, v1  }
0x2ea: {  	p0 =	slt.u32 s24, $0x70;
	v60 =	vadd.f32 v2, v30;
	[tilespmem:v20+s1+$0x20 ss:$0x1] =	vst.idx.msk $0xffff, v0;
	v61 =	vmul.f32 v6, v47  }
.Ltmp2:
0x2eb: {  	v62 =	vadd.f32 v5, v62;
	[tilespmem:v20+s1+$0x30 ss:$0x1] =	vst.idx.msk $0xffff, v4;
	v1 =	vmul.f32 v1, v15;
	(pc) =	sbr.rel @p0 .LBB2_7-.Ltmp2, $4  }
0x2ec: {  	[tilespmem:v20+s1+$0x40 ss:$0x1] =	vst.idx.msk $0xffff, v60;
	v63 =	vadd.f32 v61, v63  }
0x2ed: {  	[tilespmem:v20+s1+$0x50 ss:$0x1] =	vst.idx.msk $0xffff, v62;
	v1 =	vadd.f32 v1, v50  }
0x2ee: {  	s31 =	sadd.s32 $0x10, s24;
	[tilespmem:v20+s1+$0x60 ss:$0x1] =	vst.idx.msk $0xffff, v63  }
0x2ef: {  	s24 =	smov.u32 s31;
	[tilespmem:v20+s1+$0x70 ss:$0x1] =	vst.idx.msk $0xffff, v1  }
0x2f0: {  	p0 =	sne.s32 s20, $0x32  }
.Ltmp3:
0x2f1: {  	s1 =	sadd.s32 s8, s22;
	(pc) =	sbr.rel @p0 .LBB2_2-.Ltmp3, $4  }
0x2f2: {  	s1 =	sshll.u32 s1, $0x4  }
0x2f3: {  	s1 =	sadd.s32 s6, s1  }
0x2f4: {  	[hbm4b:s1+s7] =	stream.linear.scatter [tilespmem:s21], [sflag:$0x2], $0x4000, $0x38;
	[tilespmem:$0x10100] =	vst v63  }
0x2f5: {  	s1 =	smov.u32 s20  }
0x2f6: {  	s19 =	sadd.s32 $0x1, s19  }
0x2f7: {  	p0 =	sne.s32 s19, s10  }
.Ltmp4:
0x2f8: {  	_ = 	snop;
	(pc) =	sbr.rel @p0 .LBB2_1-.Ltmp4, $4  }
0x2f9: {  	_ = 	snop  }
0x2fa: {  	_ =	swait.ge [sflag:s18], $0x4000  }
0x2fb: {  	[sflag:s18] =	ssyncset.done $0x0  }
0x2fc: {  	[sflag:s18] =	ssyncadd.s32 $0xFFFFC000  }
0x2fd: {  	_ =	sfence.sel $0x180000  }
0x2fe: {  	[bflag:$0x0] =	sbarrier.arrive $0xFFFF  }
0x2ff: {  	_ =	strace $0x90000047  }
0x300: {  	s0 =	stileid.u32;
	[bflag:$0x2] =	sbarrier.arrive $0xFFFF  }
0x301: {  	p0 =	sne.s32 s0, $0x0;
	s0 =	rddreg [dreg:$0x6]  }
0x302: {  	s0 =	sadd.s32 @!p0 $0x100000, s0  }
0x303: {  	[sflag:s0] =	ssyncadd.tile.s32 @!p0 $0x1;
	_ =	shalt  }
.Lfunc_end2:
_tile_overlayer_lowered:
.L_overlay_start_2:
0x304: {  	(tag) =	ssettag $0x2  }
0x305: {  	s0 =	rddreg [dreg:$0x0];
	s2 =	stileid.u32  }
0x306: {  	s1 =	rddreg [dreg:$0x1];
	p0 =	sne.s32 s2, $0x0  }
0x307: {  	s3 =	rddreg [dreg:$0x2];
	[bflag:$0x3] =	sbarrier.arrive $0xFFFF;
	s2 =	simm.s32 @!p0 $0x1C03  }
0x308: {  	[timem:s3], [sflag:s2] =	dma.local @!p0 [hbm:s0], s1  }
0x309: {  	s0 =	simm.s32 @!p0 $0x3  }
0x30a: {  	_ =	swait.ge @!p0 [sflag:s0], s1  }
0x30b: {  	s1 =	ssub.s32 @!p0 $0x0, s1;
	[sflag:s0] =	ssyncset.done @!p0 $0x0  }
0x30c: {  	[sflag:s0] =	ssyncadd.s32 @!p0 s1  }
0x30d: {  	[bflag:$0x3] =	sbarrier.arrive $0xFFFF  }
0x30e: {  	_ =	shalt  }

</sc_bundles>
